<compile_context>
chip_gen: v7x
topology: tpu7x:2x2x1
jax: 0.10.2.dev20260603
libtpu: 0.0.44.dev20260713+nightly
codegen_flags: <defaults>
</compile_context>

<pallas_src>
import functools

import jax
import jax.numpy as jnp
from jax import lax
from jax.experimental import pallas as pl
from jax.experimental.pallas import tpu as pltpu
from jax.experimental.pallas import tpu_sc as plsc

N_NODES = 10000
N_EDGES = 320000
IN_FEATS = 128
NUM_HEADS = 8
OUT_FEATS = 16
NEG_SLOPE = 0.2

NC = 2
NS = 16
NW = NC * NS
EPT = N_EDGES // NW
CHUNK = 80
NCHUNK = EPT // CHUNK
NPAD = 10112
ROWS_PT = NPAD // NS



def _k1_body(feat_ref, wt_ref, ml_ref, mr_ref, fs_ref, el_ref, er_ref):
    fb = feat_ref[...]
    fs = jnp.dot(fb, wt_ref[...], preferred_element_type=jnp.float32)
    fs_ref[...] = fs
    el_ref[...] = jnp.dot(fs, ml_ref[...], preferred_element_type=jnp.float32)
    er_ref[...] = jnp.dot(fs, mr_ref[...], preferred_element_type=jnp.float32)


def _k1(feat, wt, ml, mr):
    blk = 1000
    grid = N_NODES // blk
    return pl.pallas_call(
        _k1_body,
        grid=(grid,),
        in_specs=[
            pl.BlockSpec((blk, IN_FEATS), lambda i: (i, 0)),
            pl.BlockSpec((IN_FEATS, IN_FEATS), lambda i: (0, 0)),
            pl.BlockSpec((IN_FEATS, 16), lambda i: (0, 0)),
            pl.BlockSpec((IN_FEATS, 16), lambda i: (0, 0)),
        ],
        out_specs=[
            pl.BlockSpec((blk, IN_FEATS), lambda i: (i, 0)),
            pl.BlockSpec((blk, 16), lambda i: (i, 0)),
            pl.BlockSpec((blk, 16), lambda i: (i, 0)),
        ],
        out_shape=[
            jax.ShapeDtypeStruct((N_NODES, IN_FEATS), jnp.float32),
            jax.ShapeDtypeStruct((N_NODES, 16), jnp.float32),
            jax.ShapeDtypeStruct((N_NODES, 16), jnp.float32),
        ],
    )(feat, wt, ml, mr)



def _k2_body(el_hbm, er_hbm, src_hbm, dst_hbm, z16_hbm,
             eexp_hbm, dpart_hbm,
             sbuf, dbuf, elbuf, erbuf, exbuf, denom_sp):
    c = lax.axis_index("c")
    s = lax.axis_index("s")
    wid = c * NS + s

    pltpu.sync_copy(z16_hbm.at[pl.ds(s * ROWS_PT, ROWS_PT)],
                    denom_sp.at[pl.ds(s * ROWS_PT, ROWS_PT)])
    plsc.subcore_barrier()

    @pl.loop(0, NCHUNK)
    def _chunk(k):
        base = wid * EPT + k * CHUNK
        pltpu.sync_copy(src_hbm.at[pl.ds(base, CHUNK)], sbuf)
        pltpu.sync_copy(dst_hbm.at[pl.ds(base, CHUNK)], dbuf)
        pltpu.sync_copy(el_hbm.at[sbuf], elbuf)
        pltpu.sync_copy(er_hbm.at[dbuf], erbuf)

        @pl.loop(0, CHUNK)
        def _edge(e):
            x = elbuf[e] + erbuf[e]
            x = jnp.maximum(x, NEG_SLOPE * x)
            exbuf[e] = jnp.exp(x)

        pltpu.sync_copy(exbuf, eexp_hbm.at[pl.ds(base, CHUNK)])
        pltpu.sync_copy(exbuf, denom_sp.at[dbuf], add=True)

    plsc.subcore_barrier()
    pltpu.sync_copy(denom_sp.at[pl.ds(s * ROWS_PT, ROWS_PT)],
                    dpart_hbm.at[c, pl.ds(s * ROWS_PT, ROWS_PT)])


def _k2(el16, er16, srcs, dsts, z16):
    mesh = plsc.VectorSubcoreMesh(core_axis_name="c", subcore_axis_name="s")
    f = pl.kernel(
        _k2_body,
        mesh=mesh,
        compiler_params=pltpu.CompilerParams(use_tc_tiling_on_sc=False),
        out_type=[
            jax.ShapeDtypeStruct((N_EDGES, 16), jnp.float32),
            jax.ShapeDtypeStruct((NC, NPAD, 16), jnp.float32),
        ],
        scratch_types=[
            pltpu.VMEM((CHUNK,), jnp.int32),
            pltpu.VMEM((CHUNK,), jnp.int32),
            pltpu.VMEM((CHUNK, 16), jnp.float32),
            pltpu.VMEM((CHUNK, 16), jnp.float32),
            pltpu.VMEM((CHUNK, 16), jnp.float32),
            pltpu.VMEM_SHARED((NPAD, 16), jnp.float32),
        ],
    )
    return f(el16, er16, srcs, dsts, z16)



def _k3_body(dpart_ref, dinv_ref):
    d = dpart_ref[0] + dpart_ref[1]
    dinv_ref[...] = 1.0 / (d + 1e-9)


def _k3(dpart):
    return pl.pallas_call(
        _k3_body,
        out_shape=jax.ShapeDtypeStruct((NPAD, 16), jnp.float32),
    )(dpart)



_SPLAT_DNUMS = lax.GatherDimensionNumbers(
    offset_dims=(), collapsed_slice_dims=(0,), start_index_map=(0,))


def _splat(vec, lane):
    idx = jnp.full((16, 1), lane, jnp.int32)
    return lax.gather(vec, idx, _SPLAT_DNUMS, (1,),
                      mode=lax.GatherScatterMode.PROMISE_IN_BOUNDS)


def _lanes07x2(vec):
    idx = (lax.iota(jnp.int32, 16) & 7)[:, None]
    return lax.gather(vec, idx, _SPLAT_DNUMS, (1,),
                      mode=lax.GatherScatterMode.PROMISE_IN_BOUNDS)

def _k4_body(fs_hbm, ee_hbm, dinv_hbm, src_hbm, dst_hbm, z128_hbm,
             a_hbm, rpart_hbm,
             sbuf, dbuf, eebuf, dvbuf, fbuf, abuf, rst_sp):
    c = lax.axis_index("c")
    s = lax.axis_index("s")
    wid = c * NS + s

    pltpu.sync_copy(z128_hbm.at[pl.ds(s * ROWS_PT, ROWS_PT)],
                    rst_sp.at[pl.ds(s * ROWS_PT, ROWS_PT)])
    plsc.subcore_barrier()

    @pl.loop(0, NCHUNK)
    def _chunk(k):
        base = wid * EPT + k * CHUNK
        pltpu.sync_copy(src_hbm.at[pl.ds(base, CHUNK)], sbuf)
        pltpu.sync_copy(dst_hbm.at[pl.ds(base, CHUNK)], dbuf)
        pltpu.sync_copy(fs_hbm.at[sbuf], fbuf)
        pltpu.sync_copy(dinv_hbm.at[dbuf], dvbuf)
        pltpu.sync_copy(ee_hbm.at[pl.ds(base, CHUNK)], eebuf)

        @pl.loop(0, CHUNK, step=2)
        def _edge(e0):
            e1 = e0 + 1
            av0 = eebuf[e0] * dvbuf[e0]
            av1 = eebuf[e1] * dvbuf[e1]
            abuf[pl.ds(e0 * 8, 16)] = av0
            abuf[pl.ds(e0 * 8 + 8, 16)] = _lanes07x2(av1)
            for h in range(NUM_HEADS):
                fbuf[e0, pl.ds(h * 16, 16)] = (
                    fbuf[e0, pl.ds(h * 16, 16)] * _splat(av0, h))
                fbuf[e1, pl.ds(h * 16, 16)] = (
                    fbuf[e1, pl.ds(h * 16, 16)] * _splat(av1, h))

        pltpu.sync_copy(abuf.at[pl.ds(0, CHUNK * 8)],
                        a_hbm.at[pl.ds(base * 8, CHUNK * 8)])
        pltpu.sync_copy(fbuf, rst_sp.at[dbuf], add=True)

    plsc.subcore_barrier()
    pltpu.sync_copy(rst_sp.at[pl.ds(s * ROWS_PT, ROWS_PT)],
                    rpart_hbm.at[c, pl.ds(s * ROWS_PT, ROWS_PT)])


def _k4(fs, eexp16, dinv16, srcs, dsts, z128):
    mesh = plsc.VectorSubcoreMesh(core_axis_name="c", subcore_axis_name="s")
    f = pl.kernel(
        _k4_body,
        mesh=mesh,
        compiler_params=pltpu.CompilerParams(use_tc_tiling_on_sc=False),
        out_type=[
            jax.ShapeDtypeStruct((N_EDGES * 8,), jnp.float32),
            jax.ShapeDtypeStruct((NC, NPAD, IN_FEATS), jnp.float32),
        ],
        scratch_types=[
            pltpu.VMEM((CHUNK,), jnp.int32),
            pltpu.VMEM((CHUNK,), jnp.int32),
            pltpu.VMEM((CHUNK, 16), jnp.float32),
            pltpu.VMEM((CHUNK, 16), jnp.float32),
            pltpu.VMEM((CHUNK, IN_FEATS), jnp.float32),
            pltpu.VMEM((CHUNK * 8 + 8,), jnp.float32),
            pltpu.VMEM_SHARED((NPAD, IN_FEATS), jnp.float32),
        ],
    )
    return f(fs, eexp16, dinv16, srcs, dsts, z128)



def _k5_body(rpart_ref, rst_ref):
    rst_ref[...] = rpart_ref[0] + rpart_ref[1]


def _k5(rpart):
    blk = ROWS_PT
    return pl.pallas_call(
        _k5_body,
        grid=(NPAD // blk,),
        in_specs=[pl.BlockSpec((NC, blk, IN_FEATS), lambda i: (0, i, 0))],
        out_specs=pl.BlockSpec((blk, IN_FEATS), lambda i: (i, 0)),
        out_shape=jax.ShapeDtypeStruct((NPAD, IN_FEATS), jnp.float32),
    )(rpart)



def kernel(feat, edge_index, W, attn_l, attn_r):
    ei = edge_index.astype(jnp.int32)
    srcs, dsts = ei[0], ei[1]

    wt = W.T
    eye = jnp.eye(NUM_HEADS, dtype=jnp.float32)
    ml = (eye[:, None, :] * attn_l.reshape(NUM_HEADS, OUT_FEATS)[:, :, None])
    ml = ml.reshape(IN_FEATS, NUM_HEADS)
    mr = (eye[:, None, :] * attn_r.reshape(NUM_HEADS, OUT_FEATS)[:, :, None])
    mr = mr.reshape(IN_FEATS, NUM_HEADS)
    pad = jnp.zeros((IN_FEATS, 16 - NUM_HEADS), jnp.float32)
    ml16 = jnp.concatenate([ml, pad], axis=1)
    mr16 = jnp.concatenate([mr, pad], axis=1)

    z16 = jnp.zeros((NPAD, 16), jnp.float32)
    z128 = jnp.zeros((NPAD, IN_FEATS), jnp.float32)

    fs, el16, er16 = _k1(feat, wt, ml16, mr16)
    eexp16, dpart = _k2(el16, er16, srcs, dsts, z16)
    dinv16 = _k3(dpart)
    a8, rpart = _k4(fs, eexp16, dinv16, srcs, dsts, z128)
    rst = _k5(rpart)[:N_NODES].reshape(N_NODES, NUM_HEADS, OUT_FEATS)
    a = a8.reshape(N_EDGES, NUM_HEADS)
    return (rst, jax.lax.stop_gradient(a))

# --- scband reference (transcript-rebuilt; emitter-appended) ---
"""Pipeline reference for scband-mdnnmodel-5-4784593568255 (READ-ONLY COPY).

The authoritative reference and input builder live on the scoring server;
editing this copy changes nothing except your own understanding.
"""

import jax, jax.numpy as jnp
import numpy as np

N_NODES = 10000
N_EDGES = 320000
IN_FEATS = 128
NUM_HEADS = 8
OUT_FEATS = 16
NEG_SLOPE = 0.2


def setup_inputs(seed: int = 0) -> dict:
    key = jax.random.key(seed)
    k1, k2, k3, k4, k5 = jax.random.split(key, 5)
    feat = jax.random.normal(k1, (N_NODES, IN_FEATS), dtype=jnp.float32)
    edge_index = jax.random.randint(k2, (2, N_EDGES), 0, N_NODES, dtype=jnp.int64)
    # fc weight: nn.Linear(in_feats, out_feats*num_heads, bias=False), xavier_normal with relu gain
    gain = float(np.sqrt(2.0))
    std_fc = gain * float(np.sqrt(2.0 / (IN_FEATS + NUM_HEADS * OUT_FEATS)))
    W = jax.random.normal(k3, (NUM_HEADS * OUT_FEATS, IN_FEATS), dtype=jnp.float32) * std_fc
    std_attn = gain * float(np.sqrt(2.0 / (1 * NUM_HEADS * OUT_FEATS + 1)))
    attn_l = jax.random.normal(k4, (1, NUM_HEADS, OUT_FEATS), dtype=jnp.float32) * std_attn
    attn_r = jax.random.normal(k5, (1, NUM_HEADS, OUT_FEATS), dtype=jnp.float32) * std_attn
    return {"feat": feat, "edge_index": edge_index, "W": W, "attn_l": attn_l, "attn_r": attn_r}


def reference(feat, edge_index, W, attn_l, attn_r):
    # myGATConv forward (eval mode: dropouts are identity), res_fc=None, bias=False,
    # activation=None, res_attn=None.
    N = feat.shape[0]
    h_src = feat  # feat_drop is identity
    feat_src = (h_src @ W.T).reshape(N, NUM_HEADS, OUT_FEATS)
    feat_dst = feat_src
    el = (feat_src * attn_l).sum(axis=-1)  # [N, H]
    er = (feat_dst * attn_r).sum(axis=-1)  # [N, H]
    src = edge_index[0]
    dst = edge_index[1]
    # apply_edges: u_add_v(el, er) then leaky_relu
    e = jax.nn.leaky_relu(el[src] + er[dst], negative_slope=NEG_SLOPE)  # [E, H]
    # edge_softmax over incoming edges of each dst node
    emax = jax.ops.segment_max(e, dst, num_segments=N)  # [N, H]
    emax = jnp.where(jnp.isfinite(emax), emax, 0.0)
    e_exp = jnp.exp(e - emax[dst])
    denom = jax.ops.segment_sum(e_exp, dst, num_segments=N)  # [N, H]
    a = e_exp / (denom[dst] + 1e-9)  # [E, H]  (attn_drop is identity)
    # update_all: u_mul_e(ft, a) -> sum
    m = feat_src[src] * a[:, :, None]  # [E, H, D]
    rst = jax.ops.segment_sum(m, dst, num_segments=N)  # [N, H, D]
    return (rst, jax.lax.stop_gradient(a))

if __name__ == "__main__":
    import jax
    _d = setup_inputs()
    print(jax.jit(kernel)(*tuple(_d.values())))

</pallas_src>

<mosaic_0001>
#map = affine_map<(d0, d1) -> (0, 0)>
#map1 = affine_map<(d0, d1) -> (0)>
#map2 = affine_map<(d0, d1) -> (0, 0, 0)>
module attributes {stable_mosaic.version = 14 : i64} {
  func.func @_k4_body(%arg0: i32, %arg1: i32, %arg2: memref<10000x128xf32, #tpu.memory_space<hbm>>, %arg3: memref<320000x16xf32, #tpu.memory_space<hbm>>, %arg4: memref<10112x16xf32, #tpu.memory_space<hbm>>, %arg5: memref<320000xi32, #tpu.memory_space<hbm>>, %arg6: memref<320000xi32, #tpu.memory_space<hbm>>, %arg7: memref<10112x128xf32, #tpu.memory_space<hbm>>, %arg8: memref<2560000xf32, #tpu.memory_space<hbm>>, %arg9: memref<2x10112x128xf32, #tpu.memory_space<hbm>>, %arg10: memref<80xi32, #tpu.memory_space<vmem>>, %arg11: memref<80xi32, #tpu.memory_space<vmem>>, %arg12: memref<80x16xf32, #tpu.memory_space<vmem>>, %arg13: memref<80x16xf32, #tpu.memory_space<vmem>>, %arg14: memref<80x128xf32, #tpu.memory_space<vmem>>, %arg15: memref<648xf32, #tpu.memory_space<vmem>>, %arg16: memref<10112x128xf32, #tpu.memory_space<vmem_shared>>) attributes {dimension_semantics = [#tpu.dimension_semantics<core_parallel>, #tpu.dimension_semantics<subcore_parallel>], iteration_bounds = array<i64: 2, 16>, scalar_prefetch = 0 : i64, scratch_operands = 7 : i64, tpu.core_type = #tpu.core_type<sc_vector_subcore>, window_params = [{transform_indices = #map}, {transform_indices = #map}, {transform_indices = #map}, {transform_indices = #map1}, {transform_indices = #map1}, {transform_indices = #map}, {transform_indices = #map1}, {transform_indices = #map2}]} {
    %mul3A = arith.constant 16 : i32
    %mul3A_0 = arith.muli %arg0, %mul3A : i32
    %add3A = arith.addi %mul3A_0, %arg1 : i32
    %mul3A_1 = arith.constant 632 : i32
    %mul3A_2 = arith.muli %arg1, %mul3A_1 : i32
    %mul3A_3 = arith.constant 632 : i32
    %mul3A_4 = arith.muli %arg1, %mul3A_3 : i32
    "tpu.region"() ({
      %run_scoped3A = tpu.sem_alloc : memref<!tpu.dma_semaphore, #tpu.memory_space<semaphore_mem>>
      %dma_start3A = arith.constant 0 : i32
      %dma_start3A_14 = tpu.memref_slice %arg16[%mul3A_4, %dma_start3A] : memref<10112x128xf32, #tpu.memory_space<vmem_shared>> -> memref<632x128xf32, #tpu.memory_space<vmem_shared>>
      %dma_start3A_15 = arith.constant 0 : i32
      %dma_start3A_16 = tpu.memref_slice %arg7[%mul3A_2, %dma_start3A_15] : memref<10112x128xf32, #tpu.memory_space<hbm>> -> memref<632x128xf32, #tpu.memory_space<hbm>>
      tpu.enqueue_dma source(%dma_start3A_16 : memref<632x128xf32, #tpu.memory_space<hbm>>) target(%dma_start3A_14 : memref<632x128xf32, #tpu.memory_space<vmem_shared>>) target_semaphore(%run_scoped3A : memref<!tpu.dma_semaphore, #tpu.memory_space<semaphore_mem>>)
      %dma_wait3A = arith.constant 0 : i32
      %dma_wait3A_17 = tpu.memref_slice %arg16[%mul3A_4, %dma_wait3A] : memref<10112x128xf32, #tpu.memory_space<vmem_shared>> -> memref<632x128xf32, #tpu.memory_space<vmem_shared>>
      %dma_wait3A_18 = arith.constant 0 : i32
      %dma_wait3A_19 = tpu.memref_slice %arg7[%mul3A_2, %dma_wait3A_18] : memref<10112x128xf32, #tpu.memory_space<hbm>> -> memref<632x128xf32, #tpu.memory_space<hbm>>
      tpu.wait_dma2 semaphore(%run_scoped3A : memref<!tpu.dma_semaphore, #tpu.memory_space<semaphore_mem>>) src(%dma_wait3A_19 : memref<632x128xf32, #tpu.memory_space<hbm>>) dst(%dma_wait3A_17 : memref<632x128xf32, #tpu.memory_space<vmem_shared>>)
      tpu.yield
    }) : () -> ()
    %barrier3A = arith.constant 0 : index
    tpu.barrier barrier_id(%barrier3A)
    %scan3A = arith.constant 0 : i32
    %scan3A_5 = arith.constant 125 : i32
    %scan3A_6 = arith.addi %scan3A, %scan3A_5 : i32
    %scan3A_7 = arith.constant 1 : i32
    scf.for %scan3A_14 = %scan3A to %scan3A_6 step %scan3A_7  : i32 {
      %mul3A_15 = arith.constant 1 : i32
      %mul3A_16 = arith.muli %scan3A_14, %mul3A_15 : i32
      %add3A_17 = arith.constant 0 : i32
      %add3A_18 = arith.addi %add3A_17, %mul3A_16 : i32
      %mul3A_19 = arith.constant 10000 : i32
      %mul3A_20 = arith.muli %add3A, %mul3A_19 : i32
      %mul3A_21 = arith.constant 80 : i32
      %mul3A_22 = arith.muli %add3A_18, %mul3A_21 : i32
      %add3A_23 = arith.addi %mul3A_20, %mul3A_22 : i32
      "tpu.region"() ({
        %run_scoped3A = tpu.sem_alloc : memref<!tpu.dma_semaphore, #tpu.memory_space<semaphore_mem>>
        %dma_start3A = tpu.memref_slice %arg5[%add3A_23] : memref<320000xi32, #tpu.memory_space<hbm>> -> memref<80xi32, #tpu.memory_space<hbm>>
        %dma_start3A_31 = tpu.memref_slice %arg5[%add3A_23] : memref<320000xi32, #tpu.memory_space<hbm>> -> memref<80xi32, #tpu.memory_space<hbm>>
        tpu.enqueue_dma source(%dma_start3A_31 : memref<80xi32, #tpu.memory_space<hbm>>) target(%arg10 : memref<80xi32, #tpu.memory_space<vmem>>) target_semaphore(%run_scoped3A : memref<!tpu.dma_semaphore, #tpu.memory_space<semaphore_mem>>)
        %dma_wait3A = tpu.memref_slice %arg5[%add3A_23] : memref<320000xi32, #tpu.memory_space<hbm>> -> memref<80xi32, #tpu.memory_space<hbm>>
        %dma_wait3A_32 = tpu.memref_slice %arg5[%add3A_23] : memref<320000xi32, #tpu.memory_space<hbm>> -> memref<80xi32, #tpu.memory_space<hbm>>
        tpu.wait_dma2 semaphore(%run_scoped3A : memref<!tpu.dma_semaphore, #tpu.memory_space<semaphore_mem>>) src(%dma_wait3A_32 : memref<80xi32, #tpu.memory_space<hbm>>) dst(%arg10 : memref<80xi32, #tpu.memory_space<vmem>>)
        tpu.yield
      }) : () -> ()
      "tpu.region"() ({
        %run_scoped3A = tpu.sem_alloc : memref<!tpu.dma_semaphore, #tpu.memory_space<semaphore_mem>>
        %dma_start3A = tpu.memref_slice %arg6[%add3A_23] : memref<320000xi32, #tpu.memory_space<hbm>> -> memref<80xi32, #tpu.memory_space<hbm>>
        %dma_start3A_31 = tpu.memref_slice %arg6[%add3A_23] : memref<320000xi32, #tpu.memory_space<hbm>> -> memref<80xi32, #tpu.memory_space<hbm>>
        tpu.enqueue_dma source(%dma_start3A_31 : memref<80xi32, #tpu.memory_space<hbm>>) target(%arg11 : memref<80xi32, #tpu.memory_space<vmem>>) target_semaphore(%run_scoped3A : memref<!tpu.dma_semaphore, #tpu.memory_space<semaphore_mem>>)
        %dma_wait3A = tpu.memref_slice %arg6[%add3A_23] : memref<320000xi32, #tpu.memory_space<hbm>> -> memref<80xi32, #tpu.memory_space<hbm>>
        %dma_wait3A_32 = tpu.memref_slice %arg6[%add3A_23] : memref<320000xi32, #tpu.memory_space<hbm>> -> memref<80xi32, #tpu.memory_space<hbm>>
        tpu.wait_dma2 semaphore(%run_scoped3A : memref<!tpu.dma_semaphore, #tpu.memory_space<semaphore_mem>>) src(%dma_wait3A_32 : memref<80xi32, #tpu.memory_space<hbm>>) dst(%arg11 : memref<80xi32, #tpu.memory_space<vmem>>)
        tpu.yield
      }) : () -> ()
      "tpu.region"() ({
        %run_scoped3A = tpu.sem_alloc : memref<!tpu.dma_semaphore, #tpu.memory_space<semaphore_mem>>
        %dma_start3A = arith.constant 0 : i32
        %dma_start3A_31 = arith.constant 0 : i32
        %dma_start3A_32 = tpu.memref_slice %arg2[%dma_start3A, %dma_start3A_31] : memref<10000x128xf32, #tpu.memory_space<hbm>> -> memref<10000x128xf32, #tpu.memory_space<hbm>>
        tpu.enqueue_indirect_dma source(%dma_start3A_32 : memref<10000x128xf32, #tpu.memory_space<hbm>>) target(%arg14 : memref<80x128xf32, #tpu.memory_space<vmem>>) offsets(%arg10 : memref<80xi32, #tpu.memory_space<vmem>>) semaphore(%run_scoped3A : memref<!tpu.dma_semaphore, #tpu.memory_space<semaphore_mem>>)
        %dma_wait3A = arith.constant 0 : i32
        %dma_wait3A_33 = arith.constant 0 : i32
        %dma_wait3A_34 = tpu.memref_slice %arg2[%dma_wait3A, %dma_wait3A_33] : memref<10000x128xf32, #tpu.memory_space<hbm>> -> memref<10000x128xf32, #tpu.memory_space<hbm>>
        tpu.wait_indirect_dma semaphore(%run_scoped3A : memref<!tpu.dma_semaphore, #tpu.memory_space<semaphore_mem>>) src(%dma_wait3A_34 : memref<10000x128xf32, #tpu.memory_space<hbm>>) dst(%arg14 : memref<80x128xf32, #tpu.memory_space<vmem>>)
        tpu.yield
      }) : () -> ()
      "tpu.region"() ({
        %run_scoped3A = tpu.sem_alloc : memref<!tpu.dma_semaphore, #tpu.memory_space<semaphore_mem>>
        %dma_start3A = arith.constant 0 : i32
        %dma_start3A_31 = arith.constant 0 : i32
        %dma_start3A_32 = tpu.memref_slice %arg4[%dma_start3A, %dma_start3A_31] : memref<10112x16xf32, #tpu.memory_space<hbm>> -> memref<10112x16xf32, #tpu.memory_space<hbm>>
        tpu.enqueue_indirect_dma source(%dma_start3A_32 : memref<10112x16xf32, #tpu.memory_space<hbm>>) target(%arg13 : memref<80x16xf32, #tpu.memory_space<vmem>>) offsets(%arg11 : memref<80xi32, #tpu.memory_space<vmem>>) semaphore(%run_scoped3A : memref<!tpu.dma_semaphore, #tpu.memory_space<semaphore_mem>>)
        %dma_wait3A = arith.constant 0 : i32
        %dma_wait3A_33 = arith.constant 0 : i32
        %dma_wait3A_34 = tpu.memref_slice %arg4[%dma_wait3A, %dma_wait3A_33] : memref<10112x16xf32, #tpu.memory_space<hbm>> -> memref<10112x16xf32, #tpu.memory_space<hbm>>
        tpu.wait_indirect_dma semaphore(%run_scoped3A : memref<!tpu.dma_semaphore, #tpu.memory_space<semaphore_mem>>) src(%dma_wait3A_34 : memref<10112x16xf32, #tpu.memory_space<hbm>>) dst(%arg13 : memref<80x16xf32, #tpu.memory_space<vmem>>)
        tpu.yield
      }) : () -> ()
      "tpu.region"() ({
        %run_scoped3A = tpu.sem_alloc : memref<!tpu.dma_semaphore, #tpu.memory_space<semaphore_mem>>
        %dma_start3A = arith.constant 0 : i32
        %dma_start3A_31 = tpu.memref_slice %arg3[%add3A_23, %dma_start3A] : memref<320000x16xf32, #tpu.memory_space<hbm>> -> memref<80x16xf32, #tpu.memory_space<hbm>>
        %dma_start3A_32 = arith.constant 0 : i32
        %dma_start3A_33 = tpu.memref_slice %arg3[%add3A_23, %dma_start3A_32] : memref<320000x16xf32, #tpu.memory_space<hbm>> -> memref<80x16xf32, #tpu.memory_space<hbm>>
        tpu.enqueue_dma source(%dma_start3A_33 : memref<80x16xf32, #tpu.memory_space<hbm>>) target(%arg12 : memref<80x16xf32, #tpu.memory_space<vmem>>) target_semaphore(%run_scoped3A : memref<!tpu.dma_semaphore, #tpu.memory_space<semaphore_mem>>)
        %dma_wait3A = arith.constant 0 : i32
        %dma_wait3A_34 = tpu.memref_slice %arg3[%add3A_23, %dma_wait3A] : memref<320000x16xf32, #tpu.memory_space<hbm>> -> memref<80x16xf32, #tpu.memory_space<hbm>>
        %dma_wait3A_35 = arith.constant 0 : i32
        %dma_wait3A_36 = tpu.memref_slice %arg3[%add3A_23, %dma_wait3A_35] : memref<320000x16xf32, #tpu.memory_space<hbm>> -> memref<80x16xf32, #tpu.memory_space<hbm>>
        tpu.wait_dma2 semaphore(%run_scoped3A : memref<!tpu.dma_semaphore, #tpu.memory_space<semaphore_mem>>) src(%dma_wait3A_36 : memref<80x16xf32, #tpu.memory_space<hbm>>) dst(%arg12 : memref<80x16xf32, #tpu.memory_space<vmem>>)
        tpu.yield
      }) : () -> ()
      %scan3A_24 = arith.constant 0 : i32
      %scan3A_25 = arith.constant 40 : i32
      %scan3A_26 = arith.addi %scan3A_24, %scan3A_25 : i32
      %scan3A_27 = arith.constant 1 : i32
      scf.for %scan3A_31 = %scan3A_24 to %scan3A_26 step %scan3A_27  : i32 {
        %mul3A_32 = arith.constant 2 : i32
        %mul3A_33 = arith.muli %scan3A_31, %mul3A_32 : i32
        %add3A_34 = arith.constant 0 : i32
        %add3A_35 = arith.addi %add3A_34, %mul3A_33 : i32
        %add3A_36 = arith.constant 1 : i32
        %add3A_37 = arith.addi %add3A_35, %add3A_36 : i32
        %get3A = arith.index_cast %add3A_35 : i32 to index
        %get3A_38 = arith.constant 0 : index
        %get3A_39 = tpu.vector_load %arg12[%get3A, %get3A_38] {strides = array<i32>} : memref<80x16xf32, #tpu.memory_space<vmem>>, vector<1x16xf32>,
        %get3A_40 = vector.shape_cast %get3A_39 : vector<1x16xf32> to vector<16xf32>
        %get3A_41 = arith.index_cast %add3A_35 : i32 to index
        %get3A_42 = arith.constant 0 : index
        %get3A_43 = tpu.vector_load %arg13[%get3A_41, %get3A_42] {strides = array<i32>} : memref<80x16xf32, #tpu.memory_space<vmem>>, vector<1x16xf32>,
        %get3A_44 = vector.shape_cast %get3A_43 : vector<1x16xf32> to vector<16xf32>
        %mul3A_45 = arith.mulf %get3A_40, %get3A_44 : vector<16xf32>
        %get3A_46 = arith.index_cast %add3A_37 : i32 to index
        %get3A_47 = arith.constant 0 : index
        %get3A_48 = tpu.vector_load %arg12[%get3A_46, %get3A_47] {strides = array<i32>} : memref<80x16xf32, #tpu.memory_space<vmem>>, vector<1x16xf32>,
        %get3A_49 = vector.shape_cast %get3A_48 : vector<1x16xf32> to vector<16xf32>
        %get3A_50 = arith.index_cast %add3A_37 : i32 to index
        %get3A_51 = arith.constant 0 : index
        %get3A_52 = tpu.vector_load %arg13[%get3A_50, %get3A_51] {strides = array<i32>} : memref<80x16xf32, #tpu.memory_space<vmem>>, vector<1x16xf32>,
        %get3A_53 = vector.shape_cast %get3A_52 : vector<1x16xf32> to vector<16xf32>
        %mul3A_54 = arith.mulf %get3A_49, %get3A_53 : vector<16xf32>
        %mul3A_55 = arith.constant 8 : i32
        %mul3A_56 = arith.muli %add3A_35, %mul3A_55 : i32
        %swap3A = arith.index_cast %mul3A_56 : i32 to index
        %swap3A_57 = tpu.vector_load %arg15[%swap3A] {strides = array<i32>} : memref<648xf32, #tpu.memory_space<vmem>>, vector<16xf32>,
        %swap3A_58 = vector.shape_cast %swap3A_57 : vector<16xf32> to vector<16xf32>
        %swap3A_59 = vector.shape_cast %mul3A_45 : vector<16xf32> to vector<16xf32>
        tpu.vector_store %arg15[%swap3A], %swap3A_59 {strides = array<i32>} : memref<648xf32, #tpu.memory_space<vmem>>, vector<16xf32>,
        %iota3A = tpu.iota {dimensions = array<i32: 0>} : vector<16xi32>
        %and3A = arith.constant 7 : i32
        %and3A_60 = vector.broadcast %and3A : i32 to vector<16xi32>
        %and3A_61 = arith.andi %iota3A, %and3A_60 : vector<16xi32>
        %broadcast_in_dim3A = vector.shape_cast %and3A_61 : vector<16xi32> to vector<16x1xi32>
        %gather3A = vector.shape_cast %broadcast_in_dim3A : vector<16x1xi32> to vector<16xi32>
        %gather3A_62 = tpu.dynamic_gather %mul3A_54[%gather3A] in [0] : vector<16xf32>, vector<16xi32> -> vector<16xf32>
        %mul3A_63 = arith.constant 8 : i32
        %mul3A_64 = arith.muli %add3A_35, %mul3A_63 : i32
        %add3A_65 = arith.constant 8 : i32
        %add3A_66 = arith.addi %mul3A_64, %add3A_65 : i32
        %swap3A_67 = arith.index_cast %add3A_66 : i32 to index
        %swap3A_68 = tpu.vector_load %arg15[%swap3A_67] {strides = array<i32>} : memref<648xf32, #tpu.memory_space<vmem>>, vector<16xf32>,
        %swap3A_69 = vector.shape_cast %swap3A_68 : vector<16xf32> to vector<16xf32>
        %swap3A_70 = vector.shape_cast %gather3A_62 : vector<16xf32> to vector<16xf32>
        tpu.vector_store %arg15[%swap3A_67], %swap3A_70 {strides = array<i32>} : memref<648xf32, #tpu.memory_space<vmem>>, vector<16xf32>,
        %get3A_71 = arith.index_cast %add3A_35 : i32 to index
        %get3A_72 = arith.constant 0 : index
        %get3A_73 = tpu.vector_load %arg14[%get3A_71, %get3A_72] {strides = array<i32>} : memref<80x128xf32, #tpu.memory_space<vmem>>, vector<1x16xf32>,
        %get3A_74 = vector.shape_cast %get3A_73 : vector<1x16xf32> to vector<16xf32>
        %broadcast_in_dim3A_75 = arith.constant 0 : i32
        %broadcast_in_dim3A_76 = vector.broadcast %broadcast_in_dim3A_75 : i32 to vector<16x1xi32>
        %gather3A_77 = vector.shape_cast %broadcast_in_dim3A_76 : vector<16x1xi32> to vector<16xi32>
        %gather3A_78 = tpu.dynamic_gather %mul3A_45[%gather3A_77] in [0] : vector<16xf32>, vector<16xi32> -> vector<16xf32>
        %mul3A_79 = arith.mulf %get3A_74, %gather3A_78 : vector<16xf32>
        %swap3A_80 = arith.index_cast %add3A_35 : i32 to index
        %swap3A_81 = arith.constant 0 : index
        %swap3A_82 = tpu.vector_load %arg14[%swap3A_80, %swap3A_81] {strides = array<i32>} : memref<80x128xf32, #tpu.memory_space<vmem>>, vector<1x16xf32>,
        %swap3A_83 = vector.shape_cast %swap3A_82 : vector<1x16xf32> to vector<16xf32>
        %swap3A_84 = vector.shape_cast %mul3A_79 : vector<16xf32> to vector<1x16xf32>
        tpu.vector_store %arg14[%swap3A_80, %swap3A_81], %swap3A_84 {strides = array<i32>} : memref<80x128xf32, #tpu.memory_space<vmem>>, vector<1x16xf32>,
        %get3A_85 = arith.index_cast %add3A_37 : i32 to index
        %get3A_86 = arith.constant 0 : index
        %get3A_87 = tpu.vector_load %arg14[%get3A_85, %get3A_86] {strides = array<i32>} : memref<80x128xf32, #tpu.memory_space<vmem>>, vector<1x16xf32>,
        %get3A_88 = vector.shape_cast %get3A_87 : vector<1x16xf32> to vector<16xf32>
        %broadcast_in_dim3A_89 = arith.constant 0 : i32
        %broadcast_in_dim3A_90 = vector.broadcast %broadcast_in_dim3A_89 : i32 to vector<16x1xi32>
        %gather3A_91 = vector.shape_cast %broadcast_in_dim3A_90 : vector<16x1xi32> to vector<16xi32>
        %gather3A_92 = tpu.dynamic_gather %mul3A_54[%gather3A_91] in [0] : vector<16xf32>, vector<16xi32> -> vector<16xf32>
        %mul3A_93 = arith.mulf %get3A_88, %gather3A_92 : vector<16xf32>
        %swap3A_94 = arith.index_cast %add3A_37 : i32 to index
        %swap3A_95 = arith.constant 0 : index
        %swap3A_96 = tpu.vector_load %arg14[%swap3A_94, %swap3A_95] {strides = array<i32>} : memref<80x128xf32, #tpu.memory_space<vmem>>, vector<1x16xf32>,
        %swap3A_97 = vector.shape_cast %swap3A_96 : vector<1x16xf32> to vector<16xf32>
        %swap3A_98 = vector.shape_cast %mul3A_93 : vector<16xf32> to vector<1x16xf32>
        tpu.vector_store %arg14[%swap3A_94, %swap3A_95], %swap3A_98 {strides = array<i32>} : memref<80x128xf32, #tpu.memory_space<vmem>>, vector<1x16xf32>,
        %get3A_99 = arith.index_cast %add3A_35 : i32 to index
        %get3A_100 = arith.constant 16 : index
        %get3A_101 = tpu.vector_load %arg14[%get3A_99, %get3A_100] {strides = array<i32>} : memref<80x128xf32, #tpu.memory_space<vmem>>, vector<1x16xf32>,
        %get3A_102 = vector.shape_cast %get3A_101 : vector<1x16xf32> to vector<16xf32>
        %broadcast_in_dim3A_103 = arith.constant 1 : i32
        %broadcast_in_dim3A_104 = vector.broadcast %broadcast_in_dim3A_103 : i32 to vector<16x1xi32>
        %gather3A_105 = vector.shape_cast %broadcast_in_dim3A_104 : vector<16x1xi32> to vector<16xi32>
        %gather3A_106 = tpu.dynamic_gather %mul3A_45[%gather3A_105] in [0] : vector<16xf32>, vector<16xi32> -> vector<16xf32>
        %mul3A_107 = arith.mulf %get3A_102, %gather3A_106 : vector<16xf32>
        %swap3A_108 = arith.index_cast %add3A_35 : i32 to index
        %swap3A_109 = arith.constant 16 : index
        %swap3A_110 = tpu.vector_load %arg14[%swap3A_108, %swap3A_109] {strides = array<i32>} : memref<80x128xf32, #tpu.memory_space<vmem>>, vector<1x16xf32>,
        %swap3A_111 = vector.shape_cast %swap3A_110 : vector<1x16xf32> to vector<16xf32>
        %swap3A_112 = vector.shape_cast %mul3A_107 : vector<16xf32> to vector<1x16xf32>
        tpu.vector_store %arg14[%swap3A_108, %swap3A_109], %swap3A_112 {strides = array<i32>} : memref<80x128xf32, #tpu.memory_space<vmem>>, vector<1x16xf32>,
        %get3A_113 = arith.index_cast %add3A_37 : i32 to index
        %get3A_114 = arith.constant 16 : index
        %get3A_115 = tpu.vector_load %arg14[%get3A_113, %get3A_114] {strides = array<i32>} : memref<80x128xf32, #tpu.memory_space<vmem>>, vector<1x16xf32>,
        %get3A_116 = vector.shape_cast %get3A_115 : vector<1x16xf32> to vector<16xf32>
        %broadcast_in_dim3A_117 = arith.constant 1 : i32
        %broadcast_in_dim3A_118 = vector.broadcast %broadcast_in_dim3A_117 : i32 to vector<16x1xi32>
        %gather3A_119 = vector.shape_cast %broadcast_in_dim3A_118 : vector<16x1xi32> to vector<16xi32>
        %gather3A_120 = tpu.dynamic_gather %mul3A_54[%gather3A_119] in [0] : vector<16xf32>, vector<16xi32> -> vector<16xf32>
        %mul3A_121 = arith.mulf %get3A_116, %gather3A_120 : vector<16xf32>
        %swap3A_122 = arith.index_cast %add3A_37 : i32 to index
        %swap3A_123 = arith.constant 16 : index
        %swap3A_124 = tpu.vector_load %arg14[%swap3A_122, %swap3A_123] {strides = array<i32>} : memref<80x128xf32, #tpu.memory_space<vmem>>, vector<1x16xf32>,
        %swap3A_125 = vector.shape_cast %swap3A_124 : vector<1x16xf32> to vector<16xf32>
        %swap3A_126 = vector.shape_cast %mul3A_121 : vector<16xf32> to vector<1x16xf32>
        tpu.vector_store %arg14[%swap3A_122, %swap3A_123], %swap3A_126 {strides = array<i32>} : memref<80x128xf32, #tpu.memory_space<vmem>>, vector<1x16xf32>,
        %get3A_127 = arith.index_cast %add3A_35 : i32 to index
        %get3A_128 = arith.constant 32 : index
        %get3A_129 = tpu.vector_load %arg14[%get3A_127, %get3A_128] {strides = array<i32>} : memref<80x128xf32, #tpu.memory_space<vmem>>, vector<1x16xf32>,
        %get3A_130 = vector.shape_cast %get3A_129 : vector<1x16xf32> to vector<16xf32>
        %broadcast_in_dim3A_131 = arith.constant 2 : i32
        %broadcast_in_dim3A_132 = vector.broadcast %broadcast_in_dim3A_131 : i32 to vector<16x1xi32>
        %gather3A_133 = vector.shape_cast %broadcast_in_dim3A_132 : vector<16x1xi32> to vector<16xi32>
        %gather3A_134 = tpu.dynamic_gather %mul3A_45[%gather3A_133] in [0] : vector<16xf32>, vector<16xi32> -> vector<16xf32>
        %mul3A_135 = arith.mulf %get3A_130, %gather3A_134 : vector<16xf32>
        %swap3A_136 = arith.index_cast %add3A_35 : i32 to index
        %swap3A_137 = arith.constant 32 : index
        %swap3A_138 = tpu.vector_load %arg14[%swap3A_136, %swap3A_137] {strides = array<i32>} : memref<80x128xf32, #tpu.memory_space<vmem>>, vector<1x16xf32>,
        %swap3A_139 = vector.shape_cast %swap3A_138 : vector<1x16xf32> to vector<16xf32>
        %swap3A_140 = vector.shape_cast %mul3A_135 : vector<16xf32> to vector<1x16xf32>
        tpu.vector_store %arg14[%swap3A_136, %swap3A_137], %swap3A_140 {strides = array<i32>} : memref<80x128xf32, #tpu.memory_space<vmem>>, vector<1x16xf32>,
        %get3A_141 = arith.index_cast %add3A_37 : i32 to index
        %get3A_142 = arith.constant 32 : index
        %get3A_143 = tpu.vector_load %arg14[%get3A_141, %get3A_142] {strides = array<i32>} : memref<80x128xf32, #tpu.memory_space<vmem>>, vector<1x16xf32>,
        %get3A_144 = vector.shape_cast %get3A_143 : vector<1x16xf32> to vector<16xf32>
        %broadcast_in_dim3A_145 = arith.constant 2 : i32
        %broadcast_in_dim3A_146 = vector.broadcast %broadcast_in_dim3A_145 : i32 to vector<16x1xi32>
        %gather3A_147 = vector.shape_cast %broadcast_in_dim3A_146 : vector<16x1xi32> to vector<16xi32>
        %gather3A_148 = tpu.dynamic_gather %mul3A_54[%gather3A_147] in [0] : vector<16xf32>, vector<16xi32> -> vector<16xf32>
        %mul3A_149 = arith.mulf %get3A_144, %gather3A_148 : vector<16xf32>
        %swap3A_150 = arith.index_cast %add3A_37 : i32 to index
        %swap3A_151 = arith.constant 32 : index
        %swap3A_152 = tpu.vector_load %arg14[%swap3A_150, %swap3A_151] {strides = array<i32>} : memref<80x128xf32, #tpu.memory_space<vmem>>, vector<1x16xf32>,
        %swap3A_153 = vector.shape_cast %swap3A_152 : vector<1x16xf32> to vector<16xf32>
        %swap3A_154 = vector.shape_cast %mul3A_149 : vector<16xf32> to vector<1x16xf32>
        tpu.vector_store %arg14[%swap3A_150, %swap3A_151], %swap3A_154 {strides = array<i32>} : memref<80x128xf32, #tpu.memory_space<vmem>>, vector<1x16xf32>,
        %get3A_155 = arith.index_cast %add3A_35 : i32 to index
        %get3A_156 = arith.constant 48 : index
        %get3A_157 = tpu.vector_load %arg14[%get3A_155, %get3A_156] {strides = array<i32>} : memref<80x128xf32, #tpu.memory_space<vmem>>, vector<1x16xf32>,
        %get3A_158 = vector.shape_cast %get3A_157 : vector<1x16xf32> to vector<16xf32>
        %broadcast_in_dim3A_159 = arith.constant 3 : i32
        %broadcast_in_dim3A_160 = vector.broadcast %broadcast_in_dim3A_159 : i32 to vector<16x1xi32>
        %gather3A_161 = vector.shape_cast %broadcast_in_dim3A_160 : vector<16x1xi32> to vector<16xi32>
        %gather3A_162 = tpu.dynamic_gather %mul3A_45[%gather3A_161] in [0] : vector<16xf32>, vector<16xi32> -> vector<16xf32>
        %mul3A_163 = arith.mulf %get3A_158, %gather3A_162 : vector<16xf32>
        %swap3A_164 = arith.index_cast %add3A_35 : i32 to index
        %swap3A_165 = arith.constant 48 : index
        %swap3A_166 = tpu.vector_load %arg14[%swap3A_164, %swap3A_165] {strides = array<i32>} : memref<80x128xf32, #tpu.memory_space<vmem>>, vector<1x16xf32>,
        %swap3A_167 = vector.shape_cast %swap3A_166 : vector<1x16xf32> to vector<16xf32>
        %swap3A_168 = vector.shape_cast %mul3A_163 : vector<16xf32> to vector<1x16xf32>
        tpu.vector_store %arg14[%swap3A_164, %swap3A_165], %swap3A_168 {strides = array<i32>} : memref<80x128xf32, #tpu.memory_space<vmem>>, vector<1x16xf32>,
        %get3A_169 = arith.index_cast %add3A_37 : i32 to index
        %get3A_170 = arith.constant 48 : index
        %get3A_171 = tpu.vector_load %arg14[%get3A_169, %get3A_170] {strides = array<i32>} : memref<80x128xf32, #tpu.memory_space<vmem>>, vector<1x16xf32>,
        %get3A_172 = vector.shape_cast %get3A_171 : vector<1x16xf32> to vector<16xf32>
        %broadcast_in_dim3A_173 = arith.constant 3 : i32
        %broadcast_in_dim3A_174 = vector.broadcast %broadcast_in_dim3A_173 : i32 to vector<16x1xi32>
        %gather3A_175 = vector.shape_cast %broadcast_in_dim3A_174 : vector<16x1xi32> to vector<16xi32>
        %gather3A_176 = tpu.dynamic_gather %mul3A_54[%gather3A_175] in [0] : vector<16xf32>, vector<16xi32> -> vector<16xf32>
        %mul3A_177 = arith.mulf %get3A_172, %gather3A_176 : vector<16xf32>
        %swap3A_178 = arith.index_cast %add3A_37 : i32 to index
        %swap3A_179 = arith.constant 48 : index
        %swap3A_180 = tpu.vector_load %arg14[%swap3A_178, %swap3A_179] {strides = array<i32>} : memref<80x128xf32, #tpu.memory_space<vmem>>, vector<1x16xf32>,
        %swap3A_181 = vector.shape_cast %swap3A_180 : vector<1x16xf32> to vector<16xf32>
        %swap3A_182 = vector.shape_cast %mul3A_177 : vector<16xf32> to vector<1x16xf32>
        tpu.vector_store %arg14[%swap3A_178, %swap3A_179], %swap3A_182 {strides = array<i32>} : memref<80x128xf32, #tpu.memory_space<vmem>>, vector<1x16xf32>,
        %get3A_183 = arith.index_cast %add3A_35 : i32 to index
        %get3A_184 = arith.constant 64 : index
        %get3A_185 = tpu.vector_load %arg14[%get3A_183, %get3A_184] {strides = array<i32>} : memref<80x128xf32, #tpu.memory_space<vmem>>, vector<1x16xf32>,
        %get3A_186 = vector.shape_cast %get3A_185 : vector<1x16xf32> to vector<16xf32>
        %broadcast_in_dim3A_187 = arith.constant 4 : i32
        %broadcast_in_dim3A_188 = vector.broadcast %broadcast_in_dim3A_187 : i32 to vector<16x1xi32>
        %gather3A_189 = vector.shape_cast %broadcast_in_dim3A_188 : vector<16x1xi32> to vector<16xi32>
        %gather3A_190 = tpu.dynamic_gather %mul3A_45[%gather3A_189] in [0] : vector<16xf32>, vector<16xi32> -> vector<16xf32>
        %mul3A_191 = arith.mulf %get3A_186, %gather3A_190 : vector<16xf32>
        %swap3A_192 = arith.index_cast %add3A_35 : i32 to index
        %swap3A_193 = arith.constant 64 : index
        %swap3A_194 = tpu.vector_load %arg14[%swap3A_192, %swap3A_193] {strides = array<i32>} : memref<80x128xf32, #tpu.memory_space<vmem>>, vector<1x16xf32>,
        %swap3A_195 = vector.shape_cast %swap3A_194 : vector<1x16xf32> to vector<16xf32>
        %swap3A_196 = vector.shape_cast %mul3A_191 : vector<16xf32> to vector<1x16xf32>
        tpu.vector_store %arg14[%swap3A_192, %swap3A_193], %swap3A_196 {strides = array<i32>} : memref<80x128xf32, #tpu.memory_space<vmem>>, vector<1x16xf32>,
        %get3A_197 = arith.index_cast %add3A_37 : i32 to index
        %get3A_198 = arith.constant 64 : index
        %get3A_199 = tpu.vector_load %arg14[%get3A_197, %get3A_198] {strides = array<i32>} : memref<80x128xf32, #tpu.memory_space<vmem>>, vector<1x16xf32>,
        %get3A_200 = vector.shape_cast %get3A_199 : vector<1x16xf32> to vector<16xf32>
        %broadcast_in_dim3A_201 = arith.constant 4 : i32
        %broadcast_in_dim3A_202 = vector.broadcast %broadcast_in_dim3A_201 : i32 to vector<16x1xi32>
        %gather3A_203 = vector.shape_cast %broadcast_in_dim3A_202 : vector<16x1xi32> to vector<16xi32>
        %gather3A_204 = tpu.dynamic_gather %mul3A_54[%gather3A_203] in [0] : vector<16xf32>, vector<16xi32> -> vector<16xf32>
        %mul3A_205 = arith.mulf %get3A_200, %gather3A_204 : vector<16xf32>
        %swap3A_206 = arith.index_cast %add3A_37 : i32 to index
        %swap3A_207 = arith.constant 64 : index
        %swap3A_208 = tpu.vector_load %arg14[%swap3A_206, %swap3A_207] {strides = array<i32>} : memref<80x128xf32, #tpu.memory_space<vmem>>, vector<1x16xf32>,
        %swap3A_209 = vector.shape_cast %swap3A_208 : vector<1x16xf32> to vector<16xf32>
        %swap3A_210 = vector.shape_cast %mul3A_205 : vector<16xf32> to vector<1x16xf32>
        tpu.vector_store %arg14[%swap3A_206, %swap3A_207], %swap3A_210 {strides = array<i32>} : memref<80x128xf32, #tpu.memory_space<vmem>>, vector<1x16xf32>,
        %get3A_211 = arith.index_cast %add3A_35 : i32 to index
        %get3A_212 = arith.constant 80 : index
        %get3A_213 = tpu.vector_load %arg14[%get3A_211, %get3A_212] {strides = array<i32>} : memref<80x128xf32, #tpu.memory_space<vmem>>, vector<1x16xf32>,
        %get3A_214 = vector.shape_cast %get3A_213 : vector<1x16xf32> to vector<16xf32>
        %broadcast_in_dim3A_215 = arith.constant 5 : i32
        %broadcast_in_dim3A_216 = vector.broadcast %broadcast_in_dim3A_215 : i32 to vector<16x1xi32>
        %gather3A_217 = vector.shape_cast %broadcast_in_dim3A_216 : vector<16x1xi32> to vector<16xi32>
        %gather3A_218 = tpu.dynamic_gather %mul3A_45[%gather3A_217] in [0] : vector<16xf32>, vector<16xi32> -> vector<16xf32>
        %mul3A_219 = arith.mulf %get3A_214, %gather3A_218 : vector<16xf32>
        %swap3A_220 = arith.index_cast %add3A_35 : i32 to index
        %swap3A_221 = arith.constant 80 : index
        %swap3A_222 = tpu.vector_load %arg14[%swap3A_220, %swap3A_221] {strides = array<i32>} : memref<80x128xf32, #tpu.memory_space<vmem>>, vector<1x16xf32>,
        %swap3A_223 = vector.shape_cast %swap3A_222 : vector<1x16xf32> to vector<16xf32>
        %swap3A_224 = vector.shape_cast %mul3A_219 : vector<16xf32> to vector<1x16xf32>
        tpu.vector_store %arg14[%swap3A_220, %swap3A_221], %swap3A_224 {strides = array<i32>} : memref<80x128xf32, #tpu.memory_space<vmem>>, vector<1x16xf32>,
        %get3A_225 = arith.index_cast %add3A_37 : i32 to index
        %get3A_226 = arith.constant 80 : index
        %get3A_227 = tpu.vector_load %arg14[%get3A_225, %get3A_226] {strides = array<i32>} : memref<80x128xf32, #tpu.memory_space<vmem>>, vector<1x16xf32>,
        %get3A_228 = vector.shape_cast %get3A_227 : vector<1x16xf32> to vector<16xf32>
        %broadcast_in_dim3A_229 = arith.constant 5 : i32
        %broadcast_in_dim3A_230 = vector.broadcast %broadcast_in_dim3A_229 : i32 to vector<16x1xi32>
        %gather3A_231 = vector.shape_cast %broadcast_in_dim3A_230 : vector<16x1xi32> to vector<16xi32>
        %gather3A_232 = tpu.dynamic_gather %mul3A_54[%gather3A_231] in [0] : vector<16xf32>, vector<16xi32> -> vector<16xf32>
        %mul3A_233 = arith.mulf %get3A_228, %gather3A_232 : vector<16xf32>
        %swap3A_234 = arith.index_cast %add3A_37 : i32 to index
        %swap3A_235 = arith.constant 80 : index
        %swap3A_236 = tpu.vector_load %arg14[%swap3A_234, %swap3A_235] {strides = array<i32>} : memref<80x128xf32, #tpu.memory_space<vmem>>, vector<1x16xf32>,
        %swap3A_237 = vector.shape_cast %swap3A_236 : vector<1x16xf32> to vector<16xf32>
        %swap3A_238 = vector.shape_cast %mul3A_233 : vector<16xf32> to vector<1x16xf32>
        tpu.vector_store %arg14[%swap3A_234, %swap3A_235], %swap3A_238 {strides = array<i32>} : memref<80x128xf32, #tpu.memory_space<vmem>>, vector<1x16xf32>,
        %get3A_239 = arith.index_cast %add3A_35 : i32 to index
        %get3A_240 = arith.constant 96 : index
        %get3A_241 = tpu.vector_load %arg14[%get3A_239, %get3A_240] {strides = array<i32>} : memref<80x128xf32, #tpu.memory_space<vmem>>, vector<1x16xf32>,
        %get3A_242 = vector.shape_cast %get3A_241 : vector<1x16xf32> to vector<16xf32>
        %broadcast_in_dim3A_243 = arith.constant 6 : i32
        %broadcast_in_dim3A_244 = vector.broadcast %broadcast_in_dim3A_243 : i32 to vector<16x1xi32>
        %gather3A_245 = vector.shape_cast %broadcast_in_dim3A_244 : vector<16x1xi32> to vector<16xi32>
        %gather3A_246 = tpu.dynamic_gather %mul3A_45[%gather3A_245] in [0] : vector<16xf32>, vector<16xi32> -> vector<16xf32>
        %mul3A_247 = arith.mulf %get3A_242, %gather3A_246 : vector<16xf32>
        %swap3A_248 = arith.index_cast %add3A_35 : i32 to index
        %swap3A_249 = arith.constant 96 : index
        %swap3A_250 = tpu.vector_load %arg14[%swap3A_248, %swap3A_249] {strides = array<i32>} : memref<80x128xf32, #tpu.memory_space<vmem>>, vector<1x16xf32>,
        %swap3A_251 = vector.shape_cast %swap3A_250 : vector<1x16xf32> to vector<16xf32>
        %swap3A_252 = vector.shape_cast %mul3A_247 : vector<16xf32> to vector<1x16xf32>
        tpu.vector_store %arg14[%swap3A_248, %swap3A_249], %swap3A_252 {strides = array<i32>} : memref<80x128xf32, #tpu.memory_space<vmem>>, vector<1x16xf32>,
        %get3A_253 = arith.index_cast %add3A_37 : i32 to index
        %get3A_254 = arith.constant 96 : index
        %get3A_255 = tpu.vector_load %arg14[%get3A_253, %get3A_254] {strides = array<i32>} : memref<80x128xf32, #tpu.memory_space<vmem>>, vector<1x16xf32>,
        %get3A_256 = vector.shape_cast %get3A_255 : vector<1x16xf32> to vector<16xf32>
        %broadcast_in_dim3A_257 = arith.constant 6 : i32
        %broadcast_in_dim3A_258 = vector.broadcast %broadcast_in_dim3A_257 : i32 to vector<16x1xi32>
        %gather3A_259 = vector.shape_cast %broadcast_in_dim3A_258 : vector<16x1xi32> to vector<16xi32>
        %gather3A_260 = tpu.dynamic_gather %mul3A_54[%gather3A_259] in [0] : vector<16xf32>, vector<16xi32> -> vector<16xf32>
        %mul3A_261 = arith.mulf %get3A_256, %gather3A_260 : vector<16xf32>
        %swap3A_262 = arith.index_cast %add3A_37 : i32 to index
        %swap3A_263 = arith.constant 96 : index
        %swap3A_264 = tpu.vector_load %arg14[%swap3A_262, %swap3A_263] {strides = array<i32>} : memref<80x128xf32, #tpu.memory_space<vmem>>, vector<1x16xf32>,
        %swap3A_265 = vector.shape_cast %swap3A_264 : vector<1x16xf32> to vector<16xf32>
        %swap3A_266 = vector.shape_cast %mul3A_261 : vector<16xf32> to vector<1x16xf32>
        tpu.vector_store %arg14[%swap3A_262, %swap3A_263], %swap3A_266 {strides = array<i32>} : memref<80x128xf32, #tpu.memory_space<vmem>>, vector<1x16xf32>,
        %get3A_267 = arith.index_cast %add3A_35 : i32 to index
        %get3A_268 = arith.constant 112 : index
        %get3A_269 = tpu.vector_load %arg14[%get3A_267, %get3A_268] {strides = array<i32>} : memref<80x128xf32, #tpu.memory_space<vmem>>, vector<1x16xf32>,
        %get3A_270 = vector.shape_cast %get3A_269 : vector<1x16xf32> to vector<16xf32>
        %broadcast_in_dim3A_271 = arith.constant 7 : i32
        %broadcast_in_dim3A_272 = vector.broadcast %broadcast_in_dim3A_271 : i32 to vector<16x1xi32>
        %gather3A_273 = vector.shape_cast %broadcast_in_dim3A_272 : vector<16x1xi32> to vector<16xi32>
        %gather3A_274 = tpu.dynamic_gather %mul3A_45[%gather3A_273] in [0] : vector<16xf32>, vector<16xi32> -> vector<16xf32>
        %mul3A_275 = arith.mulf %get3A_270, %gather3A_274 : vector<16xf32>
        %swap3A_276 = arith.index_cast %add3A_35 : i32 to index
        %swap3A_277 = arith.constant 112 : index
        %swap3A_278 = tpu.vector_load %arg14[%swap3A_276, %swap3A_277] {strides = array<i32>} : memref<80x128xf32, #tpu.memory_space<vmem>>, vector<1x16xf32>,
        %swap3A_279 = vector.shape_cast %swap3A_278 : vector<1x16xf32> to vector<16xf32>
        %swap3A_280 = vector.shape_cast %mul3A_275 : vector<16xf32> to vector<1x16xf32>
        tpu.vector_store %arg14[%swap3A_276, %swap3A_277], %swap3A_280 {strides = array<i32>} : memref<80x128xf32, #tpu.memory_space<vmem>>, vector<1x16xf32>,
        %get3A_281 = arith.index_cast %add3A_37 : i32 to index
        %get3A_282 = arith.constant 112 : index
        %get3A_283 = tpu.vector_load %arg14[%get3A_281, %get3A_282] {strides = array<i32>} : memref<80x128xf32, #tpu.memory_space<vmem>>, vector<1x16xf32>,
        %get3A_284 = vector.shape_cast %get3A_283 : vector<1x16xf32> to vector<16xf32>
        %broadcast_in_dim3A_285 = arith.constant 7 : i32
        %broadcast_in_dim3A_286 = vector.broadcast %broadcast_in_dim3A_285 : i32 to vector<16x1xi32>
        %gather3A_287 = vector.shape_cast %broadcast_in_dim3A_286 : vector<16x1xi32> to vector<16xi32>
        %gather3A_288 = tpu.dynamic_gather %mul3A_54[%gather3A_287] in [0] : vector<16xf32>, vector<16xi32> -> vector<16xf32>
        %mul3A_289 = arith.mulf %get3A_284, %gather3A_288 : vector<16xf32>
        %swap3A_290 = arith.index_cast %add3A_37 : i32 to index
        %swap3A_291 = arith.constant 112 : index
        %swap3A_292 = tpu.vector_load %arg14[%swap3A_290, %swap3A_291] {strides = array<i32>} : memref<80x128xf32, #tpu.memory_space<vmem>>, vector<1x16xf32>,
        %swap3A_293 = vector.shape_cast %swap3A_292 : vector<1x16xf32> to vector<16xf32>
        %swap3A_294 = vector.shape_cast %mul3A_289 : vector<16xf32> to vector<1x16xf32>
        tpu.vector_store %arg14[%swap3A_290, %swap3A_291], %swap3A_294 {strides = array<i32>} : memref<80x128xf32, #tpu.memory_space<vmem>>, vector<1x16xf32>,
      }
      %scan3A_28 = arith.constant 40 : i32
      %mul3A_29 = arith.constant 8 : i32
      %mul3A_30 = arith.muli %add3A_23, %mul3A_29 : i32
      "tpu.region"() ({
        %run_scoped3A = tpu.sem_alloc : memref<!tpu.dma_semaphore, #tpu.memory_space<semaphore_mem>>
        %dma_start3A = arith.constant 0 : i32
        %dma_start3A_31 = tpu.memref_slice %arg15[%dma_start3A] : memref<648xf32, #tpu.memory_space<vmem>> -> memref<640xf32, #tpu.memory_space<vmem>>
        %dma_start3A_32 = tpu.memref_slice %arg8[%mul3A_30] : memref<2560000xf32, #tpu.memory_space<hbm>> -> memref<640xf32, #tpu.memory_space<hbm>>
        %dma_start3A_33 = tpu.memref_slice %arg8[%mul3A_30] : memref<2560000xf32, #tpu.memory_space<hbm>> -> memref<640xf32, #tpu.memory_space<hbm>>
        %dma_start3A_34 = arith.constant 0 : i32
        %dma_start3A_35 = tpu.memref_slice %arg15[%dma_start3A_34] : memref<648xf32, #tpu.memory_space<vmem>> -> memref<640xf32, #tpu.memory_space<vmem>>
        tpu.enqueue_dma source(%dma_start3A_35 : memref<640xf32, #tpu.memory_space<vmem>>) target(%dma_start3A_33 : memref<640xf32, #tpu.memory_space<hbm>>) target_semaphore(%run_scoped3A : memref<!tpu.dma_semaphore, #tpu.memory_space<semaphore_mem>>)
        %dma_wait3A = arith.constant 0 : i32
        %dma_wait3A_36 = tpu.memref_slice %arg15[%dma_wait3A] : memref<648xf32, #tpu.memory_space<vmem>> -> memref<640xf32, #tpu.memory_space<vmem>>
        %dma_wait3A_37 = tpu.memref_slice %arg8[%mul3A_30] : memref<2560000xf32, #tpu.memory_space<hbm>> -> memref<640xf32, #tpu.memory_space<hbm>>
        %dma_wait3A_38 = tpu.memref_slice %arg8[%mul3A_30] : memref<2560000xf32, #tpu.memory_space<hbm>> -> memref<640xf32, #tpu.memory_space<hbm>>
        %dma_wait3A_39 = arith.constant 0 : i32
        %dma_wait3A_40 = tpu.memref_slice %arg15[%dma_wait3A_39] : memref<648xf32, #tpu.memory_space<vmem>> -> memref<640xf32, #tpu.memory_space<vmem>>
        tpu.wait_dma2 semaphore(%run_scoped3A : memref<!tpu.dma_semaphore, #tpu.memory_space<semaphore_mem>>) src(%dma_wait3A_40 : memref<640xf32, #tpu.memory_space<vmem>>) dst(%dma_wait3A_38 : memref<640xf32, #tpu.memory_space<hbm>>)
        tpu.yield
      }) : () -> ()
      "tpu.region"() ({
        %run_scoped3A = tpu.sem_alloc : memref<!tpu.dma_semaphore, #tpu.memory_space<semaphore_mem>>
        %dma_start3A = arith.constant 0 : i32
        %dma_start3A_31 = arith.constant 0 : i32
        %dma_start3A_32 = tpu.memref_slice %arg16[%dma_start3A, %dma_start3A_31] : memref<10112x128xf32, #tpu.memory_space<vmem_shared>> -> memref<10112x128xf32, #tpu.memory_space<vmem_shared>>
        tpu.enqueue_indirect_dma source(%arg14 : memref<80x128xf32, #tpu.memory_space<vmem>>) target(%dma_start3A_32 : memref<10112x128xf32, #tpu.memory_space<vmem_shared>>) offsets(%arg11 : memref<80xi32, #tpu.memory_space<vmem>>) semaphore(%run_scoped3A : memref<!tpu.dma_semaphore, #tpu.memory_space<semaphore_mem>>) {add = true}
        %dma_wait3A = arith.constant 0 : i32
        %dma_wait3A_33 = arith.constant 0 : i32
        %dma_wait3A_34 = tpu.memref_slice %arg16[%dma_wait3A, %dma_wait3A_33] : memref<10112x128xf32, #tpu.memory_space<vmem_shared>> -> memref<10112x128xf32, #tpu.memory_space<vmem_shared>>
        tpu.wait_indirect_dma semaphore(%run_scoped3A : memref<!tpu.dma_semaphore, #tpu.memory_space<semaphore_mem>>) src(%arg14 : memref<80x128xf32, #tpu.memory_space<vmem>>) dst(%dma_wait3A_34 : memref<10112x128xf32, #tpu.memory_space<vmem_shared>>)
        tpu.yield
      }) : () -> ()
    }
    %scan3A_8 = arith.constant 125 : i32
    %barrier3A_9 = arith.constant 0 : index
    tpu.barrier barrier_id(%barrier3A_9)
    %mul3A_10 = arith.constant 632 : i32
    %mul3A_11 = arith.muli %arg1, %mul3A_10 : i32
    %mul3A_12 = arith.constant 632 : i32
    %mul3A_13 = arith.muli %arg1, %mul3A_12 : i32
    "tpu.region"() ({
      %run_scoped3A = tpu.sem_alloc : memref<!tpu.dma_semaphore, #tpu.memory_space<semaphore_mem>>
      %dma_start3A = arith.constant 0 : i32
      %dma_start3A_14 = tpu.memref_slice %arg9[%arg0, %mul3A_13, %dma_start3A] : memref<2x10112x128xf32, #tpu.memory_space<hbm>> -> memref<1x632x128xf32, #tpu.memory_space<hbm>>
      %dma_start3A_15 = tpu.memref_squeeze %dma_start3A_14 : memref<1x632x128xf32, #tpu.memory_space<hbm>> -> memref<632x128xf32, #tpu.memory_space<hbm>>
      %dma_start3A_16 = arith.constant 0 : i32
      %dma_start3A_17 = tpu.memref_slice %arg16[%mul3A_11, %dma_start3A_16] : memref<10112x128xf32, #tpu.memory_space<vmem_shared>> -> memref<632x128xf32, #tpu.memory_space<vmem_shared>>
      tpu.enqueue_dma source(%dma_start3A_17 : memref<632x128xf32, #tpu.memory_space<vmem_shared>>) target(%dma_start3A_15 : memref<632x128xf32, #tpu.memory_space<hbm>>) target_semaphore(%run_scoped3A : memref<!tpu.dma_semaphore, #tpu.memory_space<semaphore_mem>>)
      %dma_wait3A = arith.constant 0 : i32
      %dma_wait3A_18 = tpu.memref_slice %arg9[%arg0, %mul3A_13, %dma_wait3A] : memref<2x10112x128xf32, #tpu.memory_space<hbm>> -> memref<1x632x128xf32, #tpu.memory_space<hbm>>
      %dma_wait3A_19 = tpu.memref_squeeze %dma_wait3A_18 : memref<1x632x128xf32, #tpu.memory_space<hbm>> -> memref<632x128xf32, #tpu.memory_space<hbm>>
      %dma_wait3A_20 = arith.constant 0 : i32
      %dma_wait3A_21 = tpu.memref_slice %arg16[%mul3A_11, %dma_wait3A_20] : memref<10112x128xf32, #tpu.memory_space<vmem_shared>> -> memref<632x128xf32, #tpu.memory_space<vmem_shared>>
      tpu.wait_dma2 semaphore(%run_scoped3A : memref<!tpu.dma_semaphore, #tpu.memory_space<semaphore_mem>>) src(%dma_wait3A_21 : memref<632x128xf32, #tpu.memory_space<vmem_shared>>) dst(%dma_wait3A_19 : memref<632x128xf32, #tpu.memory_space<hbm>>)
      tpu.yield
    }) : () -> ()
    return
  }
}

#map = affine_map<(d0, d1) -> (0, 0)>
#map1 = affine_map<(d0, d1) -> (0)>
#map2 = affine_map<(d0, d1) -> (0, 0, 0)>
module attributes {stable_mosaic.version = 14 : i64} {
  func.func @_k2_body(%arg0: i32, %arg1: i32, %arg2: memref<10000x16xf32, #tpu.memory_space<hbm>>, %arg3: memref<10000x16xf32, #tpu.memory_space<hbm>>, %arg4: memref<320000xi32, #tpu.memory_space<hbm>>, %arg5: memref<320000xi32, #tpu.memory_space<hbm>>, %arg6: memref<10112x16xf32, #tpu.memory_space<hbm>>, %arg7: memref<320000x16xf32, #tpu.memory_space<hbm>>, %arg8: memref<2x10112x16xf32, #tpu.memory_space<hbm>>, %arg9: memref<80xi32, #tpu.memory_space<vmem>>, %arg10: memref<80xi32, #tpu.memory_space<vmem>>, %arg11: memref<80x16xf32, #tpu.memory_space<vmem>>, %arg12: memref<80x16xf32, #tpu.memory_space<vmem>>, %arg13: memref<80x16xf32, #tpu.memory_space<vmem>>, %arg14: memref<10112x16xf32, #tpu.memory_space<vmem_shared>>) attributes {dimension_semantics = [#tpu.dimension_semantics<core_parallel>, #tpu.dimension_semantics<subcore_parallel>], iteration_bounds = array<i64: 2, 16>, scalar_prefetch = 0 : i64, scratch_operands = 6 : i64, tpu.core_type = #tpu.core_type<sc_vector_subcore>, window_params = [{transform_indices = #map}, {transform_indices = #map}, {transform_indices = #map1}, {transform_indices = #map1}, {transform_indices = #map}, {transform_indices = #map}, {transform_indices = #map2}]} {
    %mul3A = arith.constant 16 : i32
    %mul3A_0 = arith.muli %arg0, %mul3A : i32
    %add3A = arith.addi %mul3A_0, %arg1 : i32
    %mul3A_1 = arith.constant 632 : i32
    %mul3A_2 = arith.muli %arg1, %mul3A_1 : i32
    %mul3A_3 = arith.constant 632 : i32
    %mul3A_4 = arith.muli %arg1, %mul3A_3 : i32
    "tpu.region"() ({
      %run_scoped3A = tpu.sem_alloc : memref<!tpu.dma_semaphore, #tpu.memory_space<semaphore_mem>>
      %dma_start3A = arith.constant 0 : i32
      %dma_start3A_14 = tpu.memref_slice %arg14[%mul3A_4, %dma_start3A] : memref<10112x16xf32, #tpu.memory_space<vmem_shared>> -> memref<632x16xf32, #tpu.memory_space<vmem_shared>>
      %dma_start3A_15 = arith.constant 0 : i32
      %dma_start3A_16 = tpu.memref_slice %arg6[%mul3A_2, %dma_start3A_15] : memref<10112x16xf32, #tpu.memory_space<hbm>> -> memref<632x16xf32, #tpu.memory_space<hbm>>
      tpu.enqueue_dma source(%dma_start3A_16 : memref<632x16xf32, #tpu.memory_space<hbm>>) target(%dma_start3A_14 : memref<632x16xf32, #tpu.memory_space<vmem_shared>>) target_semaphore(%run_scoped3A : memref<!tpu.dma_semaphore, #tpu.memory_space<semaphore_mem>>)
      %dma_wait3A = arith.constant 0 : i32
      %dma_wait3A_17 = tpu.memref_slice %arg14[%mul3A_4, %dma_wait3A] : memref<10112x16xf32, #tpu.memory_space<vmem_shared>> -> memref<632x16xf32, #tpu.memory_space<vmem_shared>>
      %dma_wait3A_18 = arith.constant 0 : i32
      %dma_wait3A_19 = tpu.memref_slice %arg6[%mul3A_2, %dma_wait3A_18] : memref<10112x16xf32, #tpu.memory_space<hbm>> -> memref<632x16xf32, #tpu.memory_space<hbm>>
      tpu.wait_dma2 semaphore(%run_scoped3A : memref<!tpu.dma_semaphore, #tpu.memory_space<semaphore_mem>>) src(%dma_wait3A_19 : memref<632x16xf32, #tpu.memory_space<hbm>>) dst(%dma_wait3A_17 : memref<632x16xf32, #tpu.memory_space<vmem_shared>>)
      tpu.yield
    }) : () -> ()
    %barrier3A = arith.constant 0 : index
    tpu.barrier barrier_id(%barrier3A)
    %scan3A = arith.constant 0 : i32
    %scan3A_5 = arith.constant 125 : i32
    %scan3A_6 = arith.addi %scan3A, %scan3A_5 : i32
    %scan3A_7 = arith.constant 1 : i32
    scf.for %scan3A_14 = %scan3A to %scan3A_6 step %scan3A_7  : i32 {
      %mul3A_15 = arith.constant 1 : i32
      %mul3A_16 = arith.muli %scan3A_14, %mul3A_15 : i32
      %add3A_17 = arith.constant 0 : i32
      %add3A_18 = arith.addi %add3A_17, %mul3A_16 : i32
      %mul3A_19 = arith.constant 10000 : i32
      %mul3A_20 = arith.muli %add3A, %mul3A_19 : i32
      %mul3A_21 = arith.constant 80 : i32
      %mul3A_22 = arith.muli %add3A_18, %mul3A_21 : i32
      %add3A_23 = arith.addi %mul3A_20, %mul3A_22 : i32
      "tpu.region"() ({
        %run_scoped3A = tpu.sem_alloc : memref<!tpu.dma_semaphore, #tpu.memory_space<semaphore_mem>>
        %dma_start3A = tpu.memref_slice %arg4[%add3A_23] : memref<320000xi32, #tpu.memory_space<hbm>> -> memref<80xi32, #tpu.memory_space<hbm>>
        %dma_start3A_29 = tpu.memref_slice %arg4[%add3A_23] : memref<320000xi32, #tpu.memory_space<hbm>> -> memref<80xi32, #tpu.memory_space<hbm>>
        tpu.enqueue_dma source(%dma_start3A_29 : memref<80xi32, #tpu.memory_space<hbm>>) target(%arg9 : memref<80xi32, #tpu.memory_space<vmem>>) target_semaphore(%run_scoped3A : memref<!tpu.dma_semaphore, #tpu.memory_space<semaphore_mem>>)
        %dma_wait3A = tpu.memref_slice %arg4[%add3A_23] : memref<320000xi32, #tpu.memory_space<hbm>> -> memref<80xi32, #tpu.memory_space<hbm>>
        %dma_wait3A_30 = tpu.memref_slice %arg4[%add3A_23] : memref<320000xi32, #tpu.memory_space<hbm>> -> memref<80xi32, #tpu.memory_space<hbm>>
        tpu.wait_dma2 semaphore(%run_scoped3A : memref<!tpu.dma_semaphore, #tpu.memory_space<semaphore_mem>>) src(%dma_wait3A_30 : memref<80xi32, #tpu.memory_space<hbm>>) dst(%arg9 : memref<80xi32, #tpu.memory_space<vmem>>)
        tpu.yield
      }) : () -> ()
      "tpu.region"() ({
        %run_scoped3A = tpu.sem_alloc : memref<!tpu.dma_semaphore, #tpu.memory_space<semaphore_mem>>
        %dma_start3A = tpu.memref_slice %arg5[%add3A_23] : memref<320000xi32, #tpu.memory_space<hbm>> -> memref<80xi32, #tpu.memory_space<hbm>>
        %dma_start3A_29 = tpu.memref_slice %arg5[%add3A_23] : memref<320000xi32, #tpu.memory_space<hbm>> -> memref<80xi32, #tpu.memory_space<hbm>>
        tpu.enqueue_dma source(%dma_start3A_29 : memref<80xi32, #tpu.memory_space<hbm>>) target(%arg10 : memref<80xi32, #tpu.memory_space<vmem>>) target_semaphore(%run_scoped3A : memref<!tpu.dma_semaphore, #tpu.memory_space<semaphore_mem>>)
        %dma_wait3A = tpu.memref_slice %arg5[%add3A_23] : memref<320000xi32, #tpu.memory_space<hbm>> -> memref<80xi32, #tpu.memory_space<hbm>>
        %dma_wait3A_30 = tpu.memref_slice %arg5[%add3A_23] : memref<320000xi32, #tpu.memory_space<hbm>> -> memref<80xi32, #tpu.memory_space<hbm>>
        tpu.wait_dma2 semaphore(%run_scoped3A : memref<!tpu.dma_semaphore, #tpu.memory_space<semaphore_mem>>) src(%dma_wait3A_30 : memref<80xi32, #tpu.memory_space<hbm>>) dst(%arg10 : memref<80xi32, #tpu.memory_space<vmem>>)
        tpu.yield
      }) : () -> ()
      "tpu.region"() ({
        %run_scoped3A = tpu.sem_alloc : memref<!tpu.dma_semaphore, #tpu.memory_space<semaphore_mem>>
        %dma_start3A = arith.constant 0 : i32
        %dma_start3A_29 = arith.constant 0 : i32
        %dma_start3A_30 = tpu.memref_slice %arg2[%dma_start3A, %dma_start3A_29] : memref<10000x16xf32, #tpu.memory_space<hbm>> -> memref<10000x16xf32, #tpu.memory_space<hbm>>
        tpu.enqueue_indirect_dma source(%dma_start3A_30 : memref<10000x16xf32, #tpu.memory_space<hbm>>) target(%arg11 : memref<80x16xf32, #tpu.memory_space<vmem>>) offsets(%arg9 : memref<80xi32, #tpu.memory_space<vmem>>) semaphore(%run_scoped3A : memref<!tpu.dma_semaphore, #tpu.memory_space<semaphore_mem>>)
        %dma_wait3A = arith.constant 0 : i32
        %dma_wait3A_31 = arith.constant 0 : i32
        %dma_wait3A_32 = tpu.memref_slice %arg2[%dma_wait3A, %dma_wait3A_31] : memref<10000x16xf32, #tpu.memory_space<hbm>> -> memref<10000x16xf32, #tpu.memory_space<hbm>>
        tpu.wait_indirect_dma semaphore(%run_scoped3A : memref<!tpu.dma_semaphore, #tpu.memory_space<semaphore_mem>>) src(%dma_wait3A_32 : memref<10000x16xf32, #tpu.memory_space<hbm>>) dst(%arg11 : memref<80x16xf32, #tpu.memory_space<vmem>>)
        tpu.yield
      }) : () -> ()
      "tpu.region"() ({
        %run_scoped3A = tpu.sem_alloc : memref<!tpu.dma_semaphore, #tpu.memory_space<semaphore_mem>>
        %dma_start3A = arith.constant 0 : i32
        %dma_start3A_29 = arith.constant 0 : i32
        %dma_start3A_30 = tpu.memref_slice %arg3[%dma_start3A, %dma_start3A_29] : memref<10000x16xf32, #tpu.memory_space<hbm>> -> memref<10000x16xf32, #tpu.memory_space<hbm>>
        tpu.enqueue_indirect_dma source(%dma_start3A_30 : memref<10000x16xf32, #tpu.memory_space<hbm>>) target(%arg12 : memref<80x16xf32, #tpu.memory_space<vmem>>) offsets(%arg10 : memref<80xi32, #tpu.memory_space<vmem>>) semaphore(%run_scoped3A : memref<!tpu.dma_semaphore, #tpu.memory_space<semaphore_mem>>)
        %dma_wait3A = arith.constant 0 : i32
        %dma_wait3A_31 = arith.constant 0 : i32
        %dma_wait3A_32 = tpu.memref_slice %arg3[%dma_wait3A, %dma_wait3A_31] : memref<10000x16xf32, #tpu.memory_space<hbm>> -> memref<10000x16xf32, #tpu.memory_space<hbm>>
        tpu.wait_indirect_dma semaphore(%run_scoped3A : memref<!tpu.dma_semaphore, #tpu.memory_space<semaphore_mem>>) src(%dma_wait3A_32 : memref<10000x16xf32, #tpu.memory_space<hbm>>) dst(%arg12 : memref<80x16xf32, #tpu.memory_space<vmem>>)
        tpu.yield
      }) : () -> ()
      %scan3A_24 = arith.constant 0 : i32
      %scan3A_25 = arith.constant 80 : i32
      %scan3A_26 = arith.addi %scan3A_24, %scan3A_25 : i32
      %scan3A_27 = arith.constant 1 : i32
      scf.for %scan3A_29 = %scan3A_24 to %scan3A_26 step %scan3A_27  : i32 {
        %mul3A_30 = arith.constant 1 : i32
        %mul3A_31 = arith.muli %scan3A_29, %mul3A_30 : i32
        %add3A_32 = arith.constant 0 : i32
        %add3A_33 = arith.addi %add3A_32, %mul3A_31 : i32
        %get3A = arith.index_cast %add3A_33 : i32 to index
        %get3A_34 = arith.constant 0 : index
        %get3A_35 = tpu.vector_load %arg11[%get3A, %get3A_34] {strides = array<i32>} : memref<80x16xf32, #tpu.memory_space<vmem>>, vector<1x16xf32>,
        %get3A_36 = vector.shape_cast %get3A_35 : vector<1x16xf32> to vector<16xf32>
        %get3A_37 = arith.index_cast %add3A_33 : i32 to index
        %get3A_38 = arith.constant 0 : index
        %get3A_39 = tpu.vector_load %arg12[%get3A_37, %get3A_38] {strides = array<i32>} : memref<80x16xf32, #tpu.memory_space<vmem>>, vector<1x16xf32>,
        %get3A_40 = vector.shape_cast %get3A_39 : vector<1x16xf32> to vector<16xf32>
        %add3A_41 = arith.addf %get3A_36, %get3A_40 : vector<16xf32>
        %mul3A_42 = arith.constant 2.000000e-01 : f32
        %mul3A_43 = vector.broadcast %mul3A_42 : f32 to vector<16xf32>
        %mul3A_44 = arith.mulf %mul3A_43, %add3A_41 : vector<16xf32>
        %max3A = arith.maximumf %add3A_41, %mul3A_44 : vector<16xf32>
        %exp3A = math.exp %max3A : vector<16xf32>
        %swap3A = arith.index_cast %add3A_33 : i32 to index
        %swap3A_45 = arith.constant 0 : index
        %swap3A_46 = tpu.vector_load %arg13[%swap3A, %swap3A_45] {strides = array<i32>} : memref<80x16xf32, #tpu.memory_space<vmem>>, vector<1x16xf32>,
        %swap3A_47 = vector.shape_cast %swap3A_46 : vector<1x16xf32> to vector<16xf32>
        %swap3A_48 = vector.shape_cast %exp3A : vector<16xf32> to vector<1x16xf32>
        tpu.vector_store %arg13[%swap3A, %swap3A_45], %swap3A_48 {strides = array<i32>} : memref<80x16xf32, #tpu.memory_space<vmem>>, vector<1x16xf32>,
      }
      %scan3A_28 = arith.constant 80 : i32
      "tpu.region"() ({
        %run_scoped3A = tpu.sem_alloc : memref<!tpu.dma_semaphore, #tpu.memory_space<semaphore_mem>>
        %dma_start3A = arith.constant 0 : i32
        %dma_start3A_29 = tpu.memref_slice %arg7[%add3A_23, %dma_start3A] : memref<320000x16xf32, #tpu.memory_space<hbm>> -> memref<80x16xf32, #tpu.memory_space<hbm>>
        %dma_start3A_30 = arith.constant 0 : i32
        %dma_start3A_31 = tpu.memref_slice %arg7[%add3A_23, %dma_start3A_30] : memref<320000x16xf32, #tpu.memory_space<hbm>> -> memref<80x16xf32, #tpu.memory_space<hbm>>
        tpu.enqueue_dma source(%arg13 : memref<80x16xf32, #tpu.memory_space<vmem>>) target(%dma_start3A_31 : memref<80x16xf32, #tpu.memory_space<hbm>>) target_semaphore(%run_scoped3A : memref<!tpu.dma_semaphore, #tpu.memory_space<semaphore_mem>>)
        %dma_wait3A = arith.constant 0 : i32
        %dma_wait3A_32 = tpu.memref_slice %arg7[%add3A_23, %dma_wait3A] : memref<320000x16xf32, #tpu.memory_space<hbm>> -> memref<80x16xf32, #tpu.memory_space<hbm>>
        %dma_wait3A_33 = arith.constant 0 : i32
        %dma_wait3A_34 = tpu.memref_slice %arg7[%add3A_23, %dma_wait3A_33] : memref<320000x16xf32, #tpu.memory_space<hbm>> -> memref<80x16xf32, #tpu.memory_space<hbm>>
        tpu.wait_dma2 semaphore(%run_scoped3A : memref<!tpu.dma_semaphore, #tpu.memory_space<semaphore_mem>>) src(%arg13 : memref<80x16xf32, #tpu.memory_space<vmem>>) dst(%dma_wait3A_34 : memref<80x16xf32, #tpu.memory_space<hbm>>)
        tpu.yield
      }) : () -> ()
      "tpu.region"() ({
        %run_scoped3A = tpu.sem_alloc : memref<!tpu.dma_semaphore, #tpu.memory_space<semaphore_mem>>
        %dma_start3A = arith.constant 0 : i32
        %dma_start3A_29 = arith.constant 0 : i32
        %dma_start3A_30 = tpu.memref_slice %arg14[%dma_start3A, %dma_start3A_29] : memref<10112x16xf32, #tpu.memory_space<vmem_shared>> -> memref<10112x16xf32, #tpu.memory_space<vmem_shared>>
        tpu.enqueue_indirect_dma source(%arg13 : memref<80x16xf32, #tpu.memory_space<vmem>>) target(%dma_start3A_30 : memref<10112x16xf32, #tpu.memory_space<vmem_shared>>) offsets(%arg10 : memref<80xi32, #tpu.memory_space<vmem>>) semaphore(%run_scoped3A : memref<!tpu.dma_semaphore, #tpu.memory_space<semaphore_mem>>) {add = true}
        %dma_wait3A = arith.constant 0 : i32
        %dma_wait3A_31 = arith.constant 0 : i32
        %dma_wait3A_32 = tpu.memref_slice %arg14[%dma_wait3A, %dma_wait3A_31] : memref<10112x16xf32, #tpu.memory_space<vmem_shared>> -> memref<10112x16xf32, #tpu.memory_space<vmem_shared>>
        tpu.wait_indirect_dma semaphore(%run_scoped3A : memref<!tpu.dma_semaphore, #tpu.memory_space<semaphore_mem>>) src(%arg13 : memref<80x16xf32, #tpu.memory_space<vmem>>) dst(%dma_wait3A_32 : memref<10112x16xf32, #tpu.memory_space<vmem_shared>>)
        tpu.yield
      }) : () -> ()
    }
    %scan3A_8 = arith.constant 125 : i32
    %barrier3A_9 = arith.constant 0 : index
    tpu.barrier barrier_id(%barrier3A_9)
    %mul3A_10 = arith.constant 632 : i32
    %mul3A_11 = arith.muli %arg1, %mul3A_10 : i32
    %mul3A_12 = arith.constant 632 : i32
    %mul3A_13 = arith.muli %arg1, %mul3A_12 : i32
    "tpu.region"() ({
      %run_scoped3A = tpu.sem_alloc : memref<!tpu.dma_semaphore, #tpu.memory_space<semaphore_mem>>
      %dma_start3A = arith.constant 0 : i32
      %dma_start3A_14 = tpu.memref_slice %arg8[%arg0, %mul3A_13, %dma_start3A] : memref<2x10112x16xf32, #tpu.memory_space<hbm>> -> memref<1x632x16xf32, #tpu.memory_space<hbm>>
      %dma_start3A_15 = tpu.memref_squeeze %dma_start3A_14 : memref<1x632x16xf32, #tpu.memory_space<hbm>> -> memref<632x16xf32, #tpu.memory_space<hbm>>
      %dma_start3A_16 = arith.constant 0 : i32
      %dma_start3A_17 = tpu.memref_slice %arg14[%mul3A_11, %dma_start3A_16] : memref<10112x16xf32, #tpu.memory_space<vmem_shared>> -> memref<632x16xf32, #tpu.memory_space<vmem_shared>>
      tpu.enqueue_dma source(%dma_start3A_17 : memref<632x16xf32, #tpu.memory_space<vmem_shared>>) target(%dma_start3A_15 : memref<632x16xf32, #tpu.memory_space<hbm>>) target_semaphore(%run_scoped3A : memref<!tpu.dma_semaphore, #tpu.memory_space<semaphore_mem>>)
      %dma_wait3A = arith.constant 0 : i32
      %dma_wait3A_18 = tpu.memref_slice %arg8[%arg0, %mul3A_13, %dma_wait3A] : memref<2x10112x16xf32, #tpu.memory_space<hbm>> -> memref<1x632x16xf32, #tpu.memory_space<hbm>>
      %dma_wait3A_19 = tpu.memref_squeeze %dma_wait3A_18 : memref<1x632x16xf32, #tpu.memory_space<hbm>> -> memref<632x16xf32, #tpu.memory_space<hbm>>
      %dma_wait3A_20 = arith.constant 0 : i32
      %dma_wait3A_21 = tpu.memref_slice %arg14[%mul3A_11, %dma_wait3A_20] : memref<10112x16xf32, #tpu.memory_space<vmem_shared>> -> memref<632x16xf32, #tpu.memory_space<vmem_shared>>
      tpu.wait_dma2 semaphore(%run_scoped3A : memref<!tpu.dma_semaphore, #tpu.memory_space<semaphore_mem>>) src(%dma_wait3A_21 : memref<632x16xf32, #tpu.memory_space<vmem_shared>>) dst(%dma_wait3A_19 : memref<632x16xf32, #tpu.memory_space<hbm>>)
      tpu.yield
    }) : () -> ()
    return
  }
}

module attributes {stable_mosaic.version = 14 : i64} {
  func.func @_k1_body(%arg0: i32, %arg1: memref<1000x128xf32, #tpu.memory_space<vmem>>, %arg2: memref<128x128xf32, #tpu.memory_space<vmem>>, %arg3: memref<128x16xf32, #tpu.memory_space<vmem>>, %arg4: memref<128x16xf32, #tpu.memory_space<vmem>>, %arg5: memref<1000x128xf32, #tpu.memory_space<vmem>>, %arg6: memref<1000x16xf32, #tpu.memory_space<vmem>>, %arg7: memref<1000x16xf32, #tpu.memory_space<vmem>>) attributes {dimension_semantics = [#tpu.dimension_semantics<arbitrary>], iteration_bounds = array<i64: 10>, scalar_prefetch = 0 : i64, scratch_operands = 0 : i64, tpu.core_type = #tpu.core_type<tc>, window_params = [{transform_indices = @transform_0, window_bounds = array<i64: 1000, 128>}, {pipeline_mode = #tpu.pipeline_mode<synchronous>, transform_indices = @transform_1, window_bounds = array<i64: 128, 128>}, {pipeline_mode = #tpu.pipeline_mode<synchronous>, transform_indices = @transform_2, window_bounds = array<i64: 128, 16>}, {pipeline_mode = #tpu.pipeline_mode<synchronous>, transform_indices = @transform_3, window_bounds = array<i64: 128, 16>}, {transform_indices = @transform_4, window_bounds = array<i64: 1000, 128>}, {transform_indices = @transform_5, window_bounds = array<i64: 1000, 16>}, {transform_indices = @transform_6, window_bounds = array<i64: 1000, 16>}]} {
    %get3A = arith.constant 0 : index
    %get3A_0 = arith.constant 0 : index
    %get3A_1 = vector.load %arg1[%get3A, %get3A_0] : memref<1000x128xf32, #tpu.memory_space<vmem>>, vector<1000x128xf32>
    %get3A_2 = arith.constant 0 : index
    %get3A_3 = arith.constant 0 : index
    %get3A_4 = vector.load %arg2[%get3A_2, %get3A_3] : memref<128x128xf32, #tpu.memory_space<vmem>>, vector<128x128xf32>
    %dot_general3A = arith.constant dense<0.000000e+00> : vector<1000x128xf32>
    %dot_general3A_5 = tpu.matmul %get3A_1, %get3A_4, %dot_general3A {dimension_numbers = #tpu.dot_dimension_numbers<[1], [0], [0], [1], [0, 0, 1, 1], [], []>, transpose_lhs_hint = false} : vector<1000x128xf32>, vector<128x128xf32>, vector<1000x128xf32> -> vector<1000x128xf32>
    %swap3A = arith.constant 0 : index
    %swap3A_6 = arith.constant 0 : index
    %swap3A_7 = vector.load %arg5[%swap3A, %swap3A_6] : memref<1000x128xf32, #tpu.memory_space<vmem>>, vector<1000x128xf32>
    tpu.vector_store %arg5[%swap3A, %swap3A_6], %dot_general3A_5 {strides = array<i32>} : memref<1000x128xf32, #tpu.memory_space<vmem>>, vector<1000x128xf32>,
    %get3A_8 = arith.constant 0 : index
    %get3A_9 = arith.constant 0 : index
    %get3A_10 = vector.load %arg3[%get3A_8, %get3A_9] : memref<128x16xf32, #tpu.memory_space<vmem>>, vector<128x16xf32>
    %dot_general3A_11 = arith.constant dense<0.000000e+00> : vector<1000x16xf32>
    %dot_general3A_12 = tpu.matmul %dot_general3A_5, %get3A_10, %dot_general3A_11 {dimension_numbers = #tpu.dot_dimension_numbers<[1], [0], [0], [1], [0, 0, 1, 1], [], []>, transpose_lhs_hint = false} : vector<1000x128xf32>, vector<128x16xf32>, vector<1000x16xf32> -> vector<1000x16xf32>
    %swap3A_13 = arith.constant 0 : index
    %swap3A_14 = arith.constant 0 : index
    %swap3A_15 = vector.load %arg6[%swap3A_13, %swap3A_14] : memref<1000x16xf32, #tpu.memory_space<vmem>>, vector<1000x16xf32>
    tpu.vector_store %arg6[%swap3A_13, %swap3A_14], %dot_general3A_12 {strides = array<i32>} : memref<1000x16xf32, #tpu.memory_space<vmem>>, vector<1000x16xf32>,
    %get3A_16 = arith.constant 0 : index
    %get3A_17 = arith.constant 0 : index
    %get3A_18 = vector.load %arg4[%get3A_16, %get3A_17] : memref<128x16xf32, #tpu.memory_space<vmem>>, vector<128x16xf32>
    %dot_general3A_19 = arith.constant dense<0.000000e+00> : vector<1000x16xf32>
    %dot_general3A_20 = tpu.matmul %dot_general3A_5, %get3A_18, %dot_general3A_19 {dimension_numbers = #tpu.dot_dimension_numbers<[1], [0], [0], [1], [0, 0, 1, 1], [], []>, transpose_lhs_hint = false} : vector<1000x128xf32>, vector<128x16xf32>, vector<1000x16xf32> -> vector<1000x16xf32>
    %swap3A_21 = arith.constant 0 : index
    %swap3A_22 = arith.constant 0 : index
    %swap3A_23 = vector.load %arg7[%swap3A_21, %swap3A_22] : memref<1000x16xf32, #tpu.memory_space<vmem>>, vector<1000x16xf32>
    tpu.vector_store %arg7[%swap3A_21, %swap3A_22], %dot_general3A_20 {strides = array<i32>} : memref<1000x16xf32, #tpu.memory_space<vmem>>, vector<1000x16xf32>,
    return
  }
  func.func @transform_0(%arg0: i32) -> (i32, i32) {
    %c0_i32 = arith.constant 0 : i32
    %c0_i32_0 = arith.constant 0 : i32
    return %arg0, %c0_i32 : i32, i32
  }
  func.func @transform_1(%arg0: i32) -> (i32, i32) {
    %c0_i32 = arith.constant 0 : i32
    %c0_i32_0 = arith.constant 0 : i32
    %c0_i32_1 = arith.constant 0 : i32
    return %c0_i32, %c0_i32_0 : i32, i32
  }
  func.func @transform_2(%arg0: i32) -> (i32, i32) {
    %c0_i32 = arith.constant 0 : i32
    %c0_i32_0 = arith.constant 0 : i32
    %c0_i32_1 = arith.constant 0 : i32
    return %c0_i32, %c0_i32_0 : i32, i32
  }
  func.func @transform_3(%arg0: i32) -> (i32, i32) {
    %c0_i32 = arith.constant 0 : i32
    %c0_i32_0 = arith.constant 0 : i32
    %c0_i32_1 = arith.constant 0 : i32
    return %c0_i32, %c0_i32_0 : i32, i32
  }
  func.func @transform_4(%arg0: i32) -> (i32, i32) {
    %c0_i32 = arith.constant 0 : i32
    %c0_i32_0 = arith.constant 0 : i32
    return %arg0, %c0_i32 : i32, i32
  }
  func.func @transform_5(%arg0: i32) -> (i32, i32) {
    %c0_i32 = arith.constant 0 : i32
    %c0_i32_0 = arith.constant 0 : i32
    return %arg0, %c0_i32 : i32, i32
  }
  func.func @transform_6(%arg0: i32) -> (i32, i32) {
    %c0_i32 = arith.constant 0 : i32
    %c0_i32_0 = arith.constant 0 : i32
    return %arg0, %c0_i32 : i32, i32
  }
}

module attributes {stable_mosaic.version = 14 : i64} {
  func.func @_k3_body(%arg0: memref<2x10112x16xf32, #tpu.memory_space<vmem>>, %arg1: memref<10112x16xf32, #tpu.memory_space<vmem>>) attributes {dimension_semantics = [], scalar_prefetch = 0 : i64, scratch_operands = 0 : i64, tpu.core_type = #tpu.core_type<tc>} {
    %get3A = arith.constant 0 : index
    %get3A_0 = arith.constant 0 : index
    %get3A_1 = arith.constant 0 : index
    %get3A_2 = vector.load %arg0[%get3A, %get3A_0, %get3A_1] : memref<2x10112x16xf32, #tpu.memory_space<vmem>>, vector<1x10112x16xf32>
    %get3A_3 = vector.shape_cast %get3A_2 : vector<1x10112x16xf32> to vector<10112x16xf32>
    %get3A_4 = arith.constant 1 : index
    %get3A_5 = arith.constant 0 : index
    %get3A_6 = arith.constant 0 : index
    %get3A_7 = vector.load %arg0[%get3A_4, %get3A_5, %get3A_6] : memref<2x10112x16xf32, #tpu.memory_space<vmem>>, vector<1x10112x16xf32>
    %get3A_8 = vector.shape_cast %get3A_7 : vector<1x10112x16xf32> to vector<10112x16xf32>
    %add3A = arith.addf %get3A_3, %get3A_8 : vector<10112x16xf32>
    %add3A_9 = arith.constant 9.99999971E-10 : f32
    %add3A_10 = vector.broadcast %add3A_9 : f32 to vector<10112x16xf32>
    %add3A_11 = arith.addf %add3A, %add3A_10 : vector<10112x16xf32>
    %div3A = arith.constant 1.000000e+00 : f32
    %div3A_12 = vector.broadcast %div3A : f32 to vector<10112x16xf32>
    %div3A_13 = arith.divf %div3A_12, %add3A_11 : vector<10112x16xf32>
    %swap3A = arith.constant 0 : index
    %swap3A_14 = arith.constant 0 : index
    %swap3A_15 = vector.load %arg1[%swap3A, %swap3A_14] : memref<10112x16xf32, #tpu.memory_space<vmem>>, vector<10112x16xf32>
    tpu.vector_store %arg1[%swap3A, %swap3A_14], %div3A_13 {strides = array<i32>} : memref<10112x16xf32, #tpu.memory_space<vmem>>, vector<10112x16xf32>,
    return
  }
}

module attributes {stable_mosaic.version = 14 : i64} {
  func.func @_k5_body(%arg0: i32, %arg1: memref<2x632x128xf32, #tpu.memory_space<vmem>>, %arg2: memref<632x128xf32, #tpu.memory_space<vmem>>) attributes {dimension_semantics = [#tpu.dimension_semantics<arbitrary>], iteration_bounds = array<i64: 16>, scalar_prefetch = 0 : i64, scratch_operands = 0 : i64, tpu.core_type = #tpu.core_type<tc>, window_params = [{transform_indices = @transform_0, window_bounds = array<i64: 2, 632, 128>}, {transform_indices = @transform_1, window_bounds = array<i64: 632, 128>}]} {
    %get3A = arith.constant 0 : index
    %get3A_0 = arith.constant 0 : index
    %get3A_1 = arith.constant 0 : index
    %get3A_2 = vector.load %arg1[%get3A, %get3A_0, %get3A_1] : memref<2x632x128xf32, #tpu.memory_space<vmem>>, vector<1x632x128xf32>
    %get3A_3 = vector.shape_cast %get3A_2 : vector<1x632x128xf32> to vector<632x128xf32>
    %get3A_4 = arith.constant 1 : index
    %get3A_5 = arith.constant 0 : index
    %get3A_6 = arith.constant 0 : index
    %get3A_7 = vector.load %arg1[%get3A_4, %get3A_5, %get3A_6] : memref<2x632x128xf32, #tpu.memory_space<vmem>>, vector<1x632x128xf32>
    %get3A_8 = vector.shape_cast %get3A_7 : vector<1x632x128xf32> to vector<632x128xf32>
    %add3A = arith.addf %get3A_3, %get3A_8 : vector<632x128xf32>
    %swap3A = arith.constant 0 : index
    %swap3A_9 = arith.constant 0 : index
    %swap3A_10 = vector.load %arg2[%swap3A, %swap3A_9] : memref<632x128xf32, #tpu.memory_space<vmem>>, vector<632x128xf32>
    tpu.vector_store %arg2[%swap3A, %swap3A_9], %add3A {strides = array<i32>} : memref<632x128xf32, #tpu.memory_space<vmem>>, vector<632x128xf32>,
    return
  }
  func.func @transform_0(%arg0: i32) -> (i32, i32, i32) {
    %c0_i32 = arith.constant 0 : i32
    %c0_i32_0 = arith.constant 0 : i32
    %c0_i32_1 = arith.constant 0 : i32
    return %c0_i32, %arg0, %c0_i32_0 : i32, i32, i32
  }
  func.func @transform_1(%arg0: i32) -> (i32, i32) {
    %c0_i32 = arith.constant 0 : i32
    %c0_i32_0 = arith.constant 0 : i32
    return %arg0, %c0_i32 : i32, i32
  }
}

</mosaic_0001>

<sc_bundles>
// kernel: kernel.10.cloned.1.call-start
scs
__scs_entry_jumppad:
0x0: {  	(pc) =	sbr.rel $0x88, $3  }
0x1: {  	(tag) =	ssettag $0x0;
	lr =	simm.s32 $0x1  }
0x2: {  	[smem:$0x3F9C] =	sst lr;
	_ =	strace $0xD0000000  }
0x3: {  	_ = 	snop  }
0x4: {  	_ = 	snop  }
0x5: {  	_ = 	snop  }
0x6: {  	_ = 	snop  }
0x7: {  	_ = 	snop  }
__scs_overlays_trampoline_lowered:
0x8: {  	[smem:$0x3FAB] =	sst s0  }
0x9: {  	[smem:$0x3FAC] =	sst s1  }
0xa: {  	[smem:$0x3FAD] =	sst s2  }
0xb: {  	[smem:$0x3FAE] =	sst s3  }
0xc: {  	[smem:$0x3FAF] =	sst s4  }
0xd: {  	[smem:$0x3FB0] =	sst s5  }
0xe: {  	[smem:$0x3FB1] =	sst s6  }
0xf: {  	[smem:$0x3FB2] =	sst s7  }
0x10: {  	[smem:$0x3FB3] =	sst s8  }
0x11: {  	[smem:$0x3FB4] =	sst s9;
	s0 =	simm.s32 @!p0 $0x0  }
0x12: {  	s1 =	sld [smem:$0x3F9A];
	s0 =	simm.s32 @p0 $0x1  }
0x13: {  	[smem:$0x3FB5] =	sst s0;
	s0 =	simm.s32 @!p1 $0x0  }
0x14: {  	s2 =	sld [smem:$0x3F99];
	s0 =	simm.s32 @p1 $0x1  }
0x15: {  	[smem:$0x3FB6] =	sst s0;
	s0 =	simm.s32 @!p2 $0x0  }
0x16: {  	s3 =	sld [smem:$0x3FDB];
	s0 =	simm.s32 @p2 $0x1  }
0x17: {  	s4 =	simm.s32 $0x1BF5;
	[smem:$0x3FB8] =	sst s0  }
0x18: {  	s0 =	sld [smem:$0x3F9B];
	_ =	swait.ge [sflag:s4], $0x0  }
0x19: {  	s7 =	sld [smem:$0x3F9C]  }
0x1a: {  	s8 =	sadd.s32 $0xFFFFE003, lr  }
0x1b: {  	s9 =	sadd.s32 $0xFFFFFEF7, lr;
	s5 =	simm.s32 $0xFFFFFFFF;
	p2 =	slt.u32 s8, $0xFFFFF086  }
0x1c: {  	p1 =	slt.u32 s9, $0xF7A;
	s5 =	simm.s32 @!p2 $0x0  }
0x1d: {  	s5 =	simm.s32 @p1 $0x1;
	p0 =	seq.s32 s7, s2  }
0x1e: {  	s7 =	smul.u32 @!p0 $0xF7A, s2;
	p2 =	seq.s32 @!p0 s5, $0x0  }
0x1f: {  	s9 =	smul.u32 $0xF7A, s1;
	s8 =	simm.s32 @!p0 $0x1BF5;
	p2 =	por !p2, p0  }
0x20: {  	[sflag:s8] =	ssyncset.s32 @!p0 $0xFFFFF086;
	s6 =	sadd.s32 @!p0 s3, s7;
	s7 =	simm.s32 @!p0 $0x108  }
0x21: {  	s3 =	sadd.s32 s3, s9;
	s6 =	sadd.s32 @!p0 $0x88, s6;
	s7 =	simm.s32 @p2 $0x1082  }
0x22: {  	[simem:s7], [sflag:s8] =	dma.local @!p0 [hbm:s6], $0xF7A  }
0x23: {  	s9 =	sor.u32 $0xD0000000, s2;
	s6 =	simm.s32 $0x108;
	_ =	swait.ge @!p0 [sflag:s8], $0x0  }
0x24: {  	s3 =	sadd.s32 $0x88, s3;
	s6 =	simm.s32 @!p1 $0x1082;
	[sflag:s4] =	ssyncset.s32 $0xFFFFF086  }
0x25: {  	[simem:s6], [sflag:s4] =	dma.local [hbm:s3], $0xF7A  }
0x26: {  	[smem:$0x3F9C] =	sst s1;
	(tag) =	ssettag s2;
	_ =	strace s9  }
0x27: {  	s1 =	sld [smem:$0x3FAC]  }
0x28: {  	s2 =	sld [smem:$0x3FAD]  }
0x29: {  	s4 =	sld [smem:$0x3FAF]  }
0x2a: {  	p0 =	seq.s32 s5, $0x0;
	s5 =	sld [smem:$0x3FB0]  }
0x2b: {  	s6 =	sld [smem:$0x3FB1]  }
0x2c: {  	s7 =	sld [smem:$0x3FB2]  }
0x2d: {  	s3 =	simm.s32 $0x108;
	s8 =	sld [smem:$0x3FB3]  }
0x2e: {  	s3 =	simm.s32 @!p0 $0x1082;
	s9 =	sld [smem:$0x3FB4]  }
0x2f: {  	lr =	sadd.s32 s0, s3;
	s0 =	sld [smem:$0x3FAB]  }
0x30: {  	s3 =	sld [smem:$0x3FAE]  }
0x31: {  	[smem:$0x3FB7] =	sst s10  }
0x32: {  	s10 =	sld [smem:$0x3FB5];
	_ =	sdelay $0x3  }
0x33: {  	p0 =	seq.s32 s10, $0x1;
	s10 =	sld [smem:$0x3FB7];
	_ =	sdelay $0x3  }
0x34: {  	[smem:$0x3FB7] =	sst s10  }
0x35: {  	s10 =	sld [smem:$0x3FB6];
	_ =	sdelay $0x3  }
0x36: {  	p1 =	seq.s32 s10, $0x1;
	s10 =	sld [smem:$0x3FB7];
	_ =	sdelay $0x3  }
0x37: {  	[smem:$0x3FB7] =	sst s10  }
0x38: {  	s10 =	sld [smem:$0x3FB8]  }
0x39: {  	_ = 	snop;
	(pc) =	sbr.ind lr, $3  }
0x3a: {  	_ = 	snop  }
0x3b: {  	_ = 	snop  }
0x3c: {  	p2 =	seq.s32 s10, $0x1;
	s10 =	sld [smem:$0x3FB7]  }
0x3d: {  	_ =	shalt  }
0x3e: {  	_ =	shalt  }
0x3f: {  	_ =	shalt  }
0x40: {  	_ =	shalt  }
0x41: {  	_ =	shalt  }
0x42: {  	_ =	shalt  }
0x43: {  	_ =	shalt  }
0x44: {  	_ =	shalt  }
0x45: {  	_ =	shalt  }
0x46: {  	_ =	shalt  }
0x47: {  	_ =	shalt  }
0x48: {  	_ =	shalt  }
0x49: {  	_ =	shalt  }
0x4a: {  	_ =	shalt  }
0x4b: {  	_ =	shalt  }
0x4c: {  	_ =	shalt  }
0x4d: {  	_ =	shalt  }
0x4e: {  	_ =	shalt  }
0x4f: {  	_ =	shalt  }
0x50: {  	_ =	shalt  }
0x51: {  	_ =	shalt  }
0x52: {  	_ =	shalt  }
0x53: {  	_ =	shalt  }
0x54: {  	_ =	shalt  }
0x55: {  	_ =	shalt  }
0x56: {  	_ =	shalt  }
0x57: {  	_ =	shalt  }
0x58: {  	_ =	shalt  }
0x59: {  	_ =	shalt  }
0x5a: {  	_ =	shalt  }
0x5b: {  	_ =	shalt  }
0x5c: {  	_ =	shalt  }
0x5d: {  	_ =	shalt  }
0x5e: {  	_ =	shalt  }
0x5f: {  	_ =	shalt  }
0x60: {  	_ =	shalt  }
0x61: {  	_ =	shalt  }
0x62: {  	_ =	shalt  }
0x63: {  	_ =	shalt  }
0x64: {  	_ =	shalt  }
0x65: {  	_ =	shalt  }
0x66: {  	_ =	shalt  }
0x67: {  	_ =	shalt  }
0x68: {  	_ =	shalt  }
0x69: {  	_ =	shalt  }
0x6a: {  	_ =	shalt  }
0x6b: {  	_ =	shalt  }
0x6c: {  	_ =	shalt  }
0x6d: {  	_ =	shalt  }
0x6e: {  	_ =	shalt  }
0x6f: {  	_ =	shalt  }
0x70: {  	_ =	shalt  }
0x71: {  	_ =	shalt  }
0x72: {  	_ =	shalt  }
0x73: {  	_ =	shalt  }
0x74: {  	_ =	shalt  }
0x75: {  	_ =	shalt  }
0x76: {  	_ =	shalt  }
0x77: {  	_ =	shalt  }
0x78: {  	_ =	shalt  }
0x79: {  	_ =	shalt  }
0x7a: {  	_ =	shalt  }
0x7b: {  	_ =	shalt  }
0x7c: {  	_ =	shalt  }
0x7d: {  	_ =	shalt  }
0x7e: {  	_ =	shalt  }
0x7f: {  	_ =	shalt  }
0x80: {  	_ =	shalt  }
0x81: {  	_ =	shalt  }
0x82: {  	_ =	shalt  }
0x83: {  	_ =	shalt  }
0x84: {  	_ =	shalt  }
0x85: {  	_ =	shalt  }
0x86: {  	_ =	shalt  }
0x87: {  	_ =	shalt  }
.Lfunc_end0:
.L_simem_size_0:
called_computation.1_lowered:
.L_overlay_start_0:
0x88: {  	s2 =	sld [smem:$0x3FD9]  }
0x89: {  	s3 =	sld [smem:$0x3FFE];
	_ =	sdelay $0x1  }
0x8a: {  	s1 =	srdreg.scid  }
0x8b: {  	s0 =	sand.u32 $0x1, s1  }
0x8c: {  	s14 =	sshll.u32 s0, $0xA;
	s2 =	sadd.s32 s3, s2  }
0x8d: {  	s2 =	sadd.s32 s2, s14  }
0x8e: {  	[smem:$0x3FC3] =	sst s2  }
0x8f: {  	_ = 	snop  }
0x90: {  	s2 =	sld [smem:$0x3FD0];
	_ =	sdelay $0x2  }
0x91: {  	s15 =	simm.s32 $0xA;
	s4 =	simm.s32 $0x10  }
0x92: {  	[smem:s4], [sflag:s15] =	dma.local [hbm:s2], $0x1  }
0x93: {  	_ =	swait.eq [sflag:s15], $0x1  }
0x94: {  	[sflag:s15] =	ssyncset.done $0x0  }
0x95: {  	s16 =	sld [smem:$0x10];
	[sflag:s15] =	ssyncadd.s32 $0xFFFFFFFF  }
0x96: {  	s17 =	sld [smem:$0x11];
	(tm) =	ssettm $0x1  }
0x97: {  	s18 =	sld [smem:$0x3FFB];
	_ =	sdelay $0x3  }
0x98: {  	_ =	strace s18  }
0x99: {  	s4 =	sld [smem:$0x3FFC];
	_ =	sdelay $0x3  }
0x9a: {  	_ =	strace s4  }
0x9b: {  	s4 =	sld [smem:$0x3FFD];
	_ =	sdelay $0x3  }
0x9c: {  	_ =	strace s4  }
0x9d: {  	_ =	strace $0x8FFFFFFF  }
0x9e: {  	s19 =	sld [smem:$0x3FDB];
	_ =	sdelay $0x1  }
0x9f: {  	s5 =	simm.s32 $_scs_section_size  }
0xa0: {  	s6 =	simm.s32 $_size__tile_overlayer_lowered;
	s7 =	simm.s32 $_tile_overlayer_lowered  }
0xa1: {  	s22 =	simm.s32 $0x1BFF;
	s21 =	sshll.u32 s7, $0x1;
	s4 =	sadd.s32 s5, s19  }
0xa2: {  	s8 =	simm.s32 $0x0;
	s20 =	sshll.u32 s6, $0x1;
	s6 =	sadd.s32 s21, s4  }
0xa3: {  	[timem:s8], [sflag:s22] =	dma.local [hbm:s6], s20  }
0xa4: {  	_ =	swait.ge [sflag:s22], s20  }
0xa5: {  	s5 =	ssub.s32 $0x0, s20;
	[sflag:s22] =	ssyncset.done $0x0  }
0xa6: {  	[sflag:s22] =	ssyncadd.s32 s5;
	_ =	sdelay $0x1  }
0xa7: {  	s23 =	simm.s32 $0x1B8B  }
0xa8: {  	_ =	swait.ge [sflag:s23], $0x1  }
0xa9: {  	[sflag:s23] =	ssyncset.done $0x0  }
0xaa: {  	s25 =	simm.s32 $0x1B8E;
	s24 =	sld [smem:$0x3FFE];
	[sflag:s23] =	ssyncadd.s32 $0xFFFFFFFF  }
0xab: {  	s26 =	simm.s32 $execute0_lowered;
	[smem:$0x3FD2] =	sst s25  }
0xac: {  	s6 =	sshll.u32 s26, $0x1;
	_ =	strace $0x80000049;
	[dreg:$0x1] =	wrdreg $0xFFFFFFFF  }
0xad: {  	s28 =	simm.s32 $_size_execute0_lowered;
	s4 =	sadd.s32 s4, s6;
	[dreg:$0x0] =	wrdreg $0x0  }
0xae: {  	s6 =	sshll.u32 s28, $0x1;
	[dreg:$0x2] =	wrdreg s4  }
0xaf: {  	[dreg:$0x3] =	wrdreg s6  }
0xb0: {  	[dreg:$0x4] =	wrdreg $0xC0  }
0xb1: {  	_ =	task [dreg:s8], $0x5FFFF  }
0xb2: {  	[dreg:$0x1] =	wrdreg $0xFFFFFFFF  }
0xb3: {  	[dreg:$0x0] =	wrdreg $0x60  }
0xb4: {  	[dreg:$0x2] =	wrdreg s24  }
0xb5: {  	[dreg:$0x3] =	wrdreg s16  }
0xb6: {  	[dreg:$0x4] =	wrdreg s17  }
0xb7: {  	[dreg:$0x5] =	wrdreg $0x35280  }
0xb8: {  	[dreg:$0x6] =	wrdreg $0x9  }
0xb9: {  	_ =	task.clear_ibuf [dreg:s8], $0x7FFFF;
	_ =	strace $0x90000049  }
0xba: {  	s29 =	simm.s32 $0x9;
	_ =	strace $0x8000004B  }
0xbb: {  	_ =	swait.ge [sflag:s29], $0x1  }
0xbc: {  	[sflag:s29] =	ssyncadd.s32 $0xFFFFFFFF  }
0xbd: {  	_ =	strace $0x9000004B  }
0xbe: {  	_ =	sfence  }
0xbf: {  	s30 =	sld [smem:$0x0];
	_ =	sdelay $0x2  }
0xc0: {  	s31 =	sshll.u32 s1, $0xD;
	s1 =	sshrl.u32 s1, $0x2  }
0xc1: {  	s3 =	sand.u32 $0x4000, s31;
	s1 =	sadd.s32 s1, s30  }
0xc2: {  	s0 =	sor.u32 s3, s0;
	s1 =	sshll.u32 s1, $0x11  }
0xc3: {  	s0 =	sor.u32 s1, s0  }
0xc4: {  	s0 =	sadd.s32 $0x8F2B, s0  }
0xc5: {  	[sflag:s0] =	ssyncadd.remote.s32 $0x1  }
0xc6: {  	_ =	sfence.sel $0xFFFF  }
0xc7: {  	[dreg:$0x0] =	wrdreg $0xFFFFFFFF;
	(pc) =	sbr.abs _section_cstart, $3  }
0xc8: {  	[dreg:$0x1] =	wrdreg $0xFFFFFFFF  }
0xc9: {  	_ =	task.clear_ibuf [dreg:s8], $0x2FFFF;
	_ =	strace $0x9FFFFFFF  }
0xca: {  	(tm) =	ssettm $0x7FFFFFFF  }
0xcb: {  	_ =	shalt  }
tec
execute0_lowered:
.L_overlay_start_1:
0x0: {  	(tag) =	ssettag $0x1  }
0x1: {  	s10 =	rddreg [dreg:$0x0]  }
0x2: {  	s11 =	rddreg [dreg:$0x1]  }
0x3: {  	s2 =	rddreg [dreg:$0x2]  }
0x4: {  	s3 =	rddreg [dreg:$0x3]  }
0x5: {  	s0 =	rddreg [dreg:$0x4];
	s5 =	srdreg.scid  }
0x6: {  	s1 =	stileid.u32;
	s4 =	simm.s32 $0x0;
	s17 =	simm.s32 $0x50  }
0x7: {  	s18 =	simm.s32 $0xAA0;
	s19 =	simm.s32 $0x5A0;
	s20 =	simm.s32 $0xA0  }
0x8: {  	s21 =	simm.s32 $0x32A0;
	s22 =	simm.s32 $0x0;
	s12 =	sand.u32 $0x1, s5  }
0x9: {  	s13 =	smul.u32 $0x13C00, s1;
	[smem:$0x7FF] =	sst s4;
	s5 =	sadd.s32 $0x15000, s10  }
0xa: {  	s6 =	sadd.s32 $0x46200, s10;
	s7 =	sadd.s32 $0x3C200, s10;
	s8 =	sadd.s32 $0xB200, s10  }
0xb: {  	s31 =	sshll.u32 s1, $0x6;
	s9 =	smul.u32 $0x13C000, s12;
	s15 =	ssub.s32 $0x2, s12  }
0xc: {  	_ =	strace $0x8000004A;
	s12 =	sshll.u32 s12, $0x4;
	s29 =	sshrl.u32 s15, $0x1  }
0xd: {  	s12 =	sor.u32 s1, s12;
	s30 =	sshrl.u32 s13, $0x3;
	s14 =	sadd.s32 s13, s9  }
0xe: {  	v0 =	vlaneseq.u32;
	s16 =	sadd.s32 s13, s3;
	s9 =	sadd.s32 $0x1400, s10;
	s14 =	sshrl.u32 s14, $0x3  }
0xf: {  	v1 =	vimm.s32 $0x0;
	v2 =	vimm.s32 $0x1;
	v3 =	vimm.s32 $0x2;
	s15 =	ssub.s32 s15, s29;
	s12 =	smul.u32 $0x2710, s12;
	s14 =	sadd.s32 s14, s10  }
0x10: {  	v4 =	vimm.s32 $0x3;
	v5 =	vimm.s32 $0x4;
	v6 =	vimm.s32 $0x5;
	s10 =	sadd.s32 s11, s30;
	s11 =	sor.u32 $0x1C01, s31;
	s13 =	sadd.s32 $0xE2600, s14  }
0x11: {  	v7 =	vimm.s32 $0x6;
	v8 =	vimm.s32 $0x7;
	v0 =	vand.u32 $0x7, v0;
	s14 =	smax.u32 s15, $0x1;
	s15 =	sshrl.u32 s16, $0x3;
	s16 =	simm.s32 $0x1  }
.LBB2_1:
0x12: {  	[spmem:s15], [sflag:s11] =	dma.local [hbm:s10], $0x2780  }
0x13: {  	_ =	swait.ge [sflag:s16], $0x2780  }
0x14: {  	[sflag:s16] =	ssyncset.done $0x0  }
0x15: {  	[sflag:s16] =	ssyncadd.s32 $0xFFFFD880  }
0x16: {  	s23 =	simm.s32 $0x0;
	[bflag:$0x0] =	sbarrier.arrive $0xFFFF  }
.LBB2_2:
0x17: {  	s24 =	smul.u32 $0x50, s23;
	_ =	sdelay $0x1  }
0x18: {  	s24 =	sadd.s32 s12, s24  }
0x19: {  	s25 =	sshrl.u32 s24, $0x3  }
0x1a: {  	s26 =	sadd.s32 s8, s25  }
0x1b: {  	[tilespmem:s4], [sflag:$0x1] =	stream.linear.gather [hbm4b:s26+s4], $0x50, $0x38;
	[tilespmem:$0x17128] =	vst v63  }
0x1c: {  	_ =	swait.ge [sflag:s16], $0x50  }
0x1d: {  	[sflag:s16] =	ssyncset.done $0x0  }
0x1e: {  	s25 =	sadd.s32 s9, s25;
	[sflag:s16] =	ssyncadd.s32 $0xFFFFFFB0  }
0x1f: {  	[tilespmem:s17], [sflag:$0x1] =	stream.linear.gather [hbm4b:s25+s4], $0x50, $0x38;
	[tilespmem:$0x17128] =	vst v63  }
0x20: {  	_ =	swait.ge [sflag:s16], $0x50  }
0x21: {  	[sflag:s16] =	ssyncset.done $0x0  }
0x22: {  	[sflag:s16] =	ssyncadd.s32 $0xFFFFFFB0  }
0x23: {  	[tilespmem:s18], [sflag:$0x1] =	stream.indirect.gather [hbm4b:s5+s17], $0x80, s4, s17, $0xb8;
	[tilespmem:$0x17128] =	vst v63  }
0x24: {  	_ =	swait.ge [sflag:s16], $0x2800  }
0x25: {  	[sflag:s16] =	ssyncset.done $0x0  }
0x26: {  	[sflag:s16] =	ssyncadd.s32 $0xFFFFD800  }
0x27: {  	[tilespmem:s19], [sflag:$0x1] =	stream.indirect.gather [hbm4b:s7+s17], $0x10, s17, s17, $0xb8;
	[tilespmem:$0x17128] =	vst v63  }
0x28: {  	_ =	swait.ge [sflag:s16], $0x500  }
0x29: {  	s26 =	sshll.u32 s24, $0x1;
	[sflag:s16] =	ssyncset.done $0x0  }
0x2a: {  	s25 =	sadd.s32 s6, s26;
	[sflag:s16] =	ssyncadd.s32 $0xFFFFFB00  }
0x2b: {  	[tilespmem:s20], [sflag:$0x1] =	stream.linear.gather [hbm4b:s25+s4], $0x500, $0x38;
	[tilespmem:$0x17128] =	vst v63  }
0x2c: {  	_ =	swait.ge [sflag:s16], $0x500  }
0x2d: {  	[sflag:s16] =	ssyncset.done $0x0  }
0x2e: {  	s31 =	simm.s32 $0x10;
	[sflag:s16] =	ssyncadd.s32 $0xFFFFFB00  }
0x2f: {  	v9 =	vld [tilespmem:s31+$0xA0]  }
0x30: {  	v12 =	vld [tilespmem:s31+$0x5A0]  }
0x31: {  	v10 =	vld [tilespmem:s31+$0x90]  }
0x32: {  	v11 =	vld [tilespmem:s31+$0x590];
	_ =	sdelay $0x1  }
0x33: {  	s28 =	simm.s32 $0xB20;
	s30 =	simm.s32 $0xC0  }
0x34: {  	s29 =	simm.s32 $0x32A8;
	s26 =	simm.s32 $0x32A8;
	s25 =	simm.s32 $0xB20;
	v9 =	vmul.f32 v12, v9  }
.LBB2_3:
0x35: {  	p0 =	sne.s32 s30, $0x13C0;
	s26 =	sadd.s32 $0x10, s26;
	s28 =	sadd.s32 $0x100, s28  }
0x36: {  	s31 =	smov.u32 s30;
	s30 =	sadd.s32 $0x80, s30;
	v10 =	vmul.f32 v11, v10;
	v11 =	vperm.xlane v9, v0  }
0x37: {  	v12 =	vperm.xlane v9, v2  }
0x38: {  	[tilespmem:s29+$0xFFFFFFF8] =	vst v10  }
0x39: {  	[tilespmem:s29+$0x0] =	vst v11;
	s29 =	smov.u32 s26  }
0x3a: {  	v11 =	vld [tilespmem:s25+$0xFFFFFF80]  }
0x3b: {  	v13 =	vld [tilespmem:s25+$0x0]  }
0x3c: {  	v14 =	vperm.xlane v10, v1;
	v15 =	vld [tilespmem:s25+$0x20]  }
0x3d: {  	v17 =	vperm.xlane v10, v7;
	v18 =	vperm.xlane v10, v8;
	v16 =	vld [tilespmem:s25+$0xFFFFFF90]  }
0x3e: {  	v19 =	vperm.xlane v9, v1;
	v21 =	vperm.xlane v9, v3;
	v20 =	vld [tilespmem:s25+$0x10]  }
0x3f: {  	v11 =	vmul.f32 v14, v11;
	v14 =	vld [tilespmem:s25+$0x60]  }
0x40: {  	v13 =	vmul.f32 v19, v13;
	v19 =	vperm.xlane v10, v2;
	v22 =	vld [tilespmem:s25+$0x70]  }
0x41: {  	[tilespmem:s25+$0xFFFFFF80] =	vst v11;
	v11 =	vld [tilespmem:s25+$0xFFFFFFA0];
	v15 =	vmul.f32 v21, v15  }
0x42: {  	[tilespmem:s25+$0x0] =	vst v13;
	v13 =	vmul.f32 v19, v16;
	v16 =	vld [tilespmem:s25+$0xFFFFFFB0];
	v19 =	vperm.xlane v9, v7  }
0x43: {  	v12 =	vmul.f32 v12, v20;
	[tilespmem:s25+$0x20] =	vst v15;
	v15 =	vld [tilespmem:s25+$0x30];
	v20 =	vperm.xlane v9, v8  }
0x44: {  	[tilespmem:s25+$0xFFFFFF90] =	vst v13;
	v13 =	vperm.xlane v10, v3;
	v21 =	vld [tilespmem:s25+$0xFFFFFFC0];
	v14 =	vmul.f32 v19, v14  }
0x45: {  	[tilespmem:s25+$0x10] =	vst v12;
	v12 =	vperm.xlane v10, v4;
	v19 =	vld [tilespmem:s25+$0x40];
	v20 =	vmul.f32 v20, v22  }
0x46: {  	s31 =	sshra.s32 s31, $0x2;
	v11 =	vmul.f32 v13, v11;
	v13 =	vperm.xlane v9, v4;
	v22 =	vld [tilespmem:s25+$0xFFFFFFD0];
	[tilespmem:s25+$0x60] =	vst v14  }
0x47: {  	v14 =	vperm.xlane v10, v5;
	v12 =	vmul.f32 v12, v16;
	v16 =	vld [tilespmem:s25+$0x50];
	[tilespmem:s25+$0x70] =	vst v20  }
0x48: {  	[tilespmem:s25+$0xFFFFFFA0] =	vst v11;
	v11 =	vmul.f32 v13, v15;
	v13 =	vperm.xlane v9, v5;
	v15 =	vld [tilespmem:s25+$0xFFFFFFE0]  }
0x49: {  	v10 =	vperm.xlane v10, v6;
	[tilespmem:s25+$0xFFFFFFB0] =	vst v12;
	v12 =	vmul.f32 v14, v21;
	v14 =	vld [tilespmem:s25+$0xFFFFFFF0]  }
0x4a: {  	v9 =	vperm.xlane v9, v6;
	[tilespmem:s25+$0x30] =	vst v11;
	v11 =	vmul.f32 v13, v19  }
0x4b: {  	[tilespmem:s25+$0xFFFFFFC0] =	vst v12;
	v10 =	vmul.f32 v10, v22  }
0x4c: {  	[tilespmem:s25+$0x40] =	vst v11;
	v9 =	vmul.f32 v9, v16  }
0x4d: {  	[tilespmem:s25+$0xFFFFFFD0] =	vst v10;
	v10 =	vmul.f32 v17, v15  }
0x4e: {  	[tilespmem:s25+$0x50] =	vst v9;
	v9 =	vmul.f32 v18, v14  }
0x4f: {  	[tilespmem:s25+$0xFFFFFFE0] =	vst v10  }
0x50: {  	[tilespmem:s25+$0xFFFFFFF0] =	vst v9;
	s25 =	smov.u32 s28  }
0x51: {  	v9 =	vld [tilespmem:s31+$0xA0]  }
0x52: {  	v12 =	vld [tilespmem:s31+$0x5A0]  }
.Ltmp0:
0x53: {  	v10 =	vld [tilespmem:s31+$0x90];
	(pc) =	sbr.rel @p0 .LBB2_3-.Ltmp0, $2  }
0x54: {  	v11 =	vld [tilespmem:s31+$0x590];
	_ =	sdelay $0x2  }
0x55: {  	v9 =	vmul.f32 v12, v9  }
0x56: {  	_ = 	snop  }
0x57: {  	v10 =	vmul.f32 v11, v10  }
0x58: {  	v11 =	vperm.xlane v9, v0  }
0x59: {  	[tilespmem:s29+$0xFFFFFFF8] =	vst v10  }
0x5a: {  	[tilespmem:s29+$0x0] =	vst v11  }
0x5b: {  	v11 =	vld [tilespmem:s25+$0xFFFFFF80]  }
0x5c: {  	v12 =	vld [tilespmem:s25+$0x0]  }
0x5d: {  	v16 =	vperm.xlane v9, v1;
	v15 =	vld [tilespmem:s25+$0xFFFFFF90]  }
0x5e: {  	v18 =	vperm.xlane v9, v3;
	v14 =	vperm.xlane v10, v1;
	v17 =	vld [tilespmem:s25+$0x10]  }
0x5f: {  	v19 =	vperm.xlane v9, v2;
	v47 =	vperm.xlane v9, v7;
	v13 =	vld [tilespmem:s25+$0x20]  }
0x60: {  	v43 =	vperm.xlane v10, v2;
	v42 =	vld [tilespmem:s25+$0x60];
	v11 =	vmul.f32 v14, v11  }
0x61: {  	v48 =	vperm.xlane v9, v8;
	v46 =	vld [tilespmem:s25+$0xFFFFFFB0];
	v12 =	vmul.f32 v16, v12  }
0x62: {  	v54 =	vperm.xlane v9, v4;
	v49 =	vld [tilespmem:s25+$0xFFFFFFC0];
	v45 =	vmul.f32 v43, v15;
	[tilespmem:s25+$0xFFFFFF80] =	vst v11  }
0x63: {  	v57 =	vperm.xlane v9, v5;
	v53 =	vld [tilespmem:s25+$0xFFFFFFD0];
	v17 =	vmul.f32 v19, v17;
	[tilespmem:s25+$0x0] =	vst v12  }
0x64: {  	v52 =	vperm.xlane v10, v4;
	v55 =	vld [tilespmem:s25+$0x50];
	v11 =	vmul.f32 v18, v13;
	[tilespmem:s25+$0xFFFFFF90] =	vst v45  }
0x65: {  	v56 =	vperm.xlane v10, v5;
	v20 =	vld [tilespmem:s25+$0x70];
	v14 =	vmul.f32 v47, v42;
	[tilespmem:s25+$0x10] =	vst v17  }
0x66: {  	v60 =	vperm.xlane v10, v6;
	v15 =	vmul.f32 v52, v46;
	[tilespmem:s25+$0x20] =	vst v11;
	v11 =	vld [tilespmem:s25+$0x30]  }
0x67: {  	v9 =	vperm.xlane v9, v6;
	v44 =	vld [tilespmem:s25+$0xFFFFFFA0];
	v59 =	vmul.f32 v56, v49;
	[tilespmem:s25+$0x60] =	vst v14  }
0x68: {  	v51 =	vld [tilespmem:s25+$0x40];
	v63 =	vmul.f32 v60, v53;
	[tilespmem:s25+$0xFFFFFFB0] =	vst v15  }
0x69: {  	v61 =	vld [tilespmem:s25+$0xFFFFFFF0];
	v9 =	vmul.f32 v9, v55;
	[tilespmem:s25+$0xFFFFFFC0] =	vst v59  }
0x6a: {  	v50 =	vperm.xlane v10, v3;
	v58 =	vld [tilespmem:s25+$0xFFFFFFE0];
	v12 =	vmul.f32 v48, v20;
	[tilespmem:s25+$0xFFFFFFD0] =	vst v63  }
0x6b: {  	v62 =	vperm.xlane v10, v7;
	[tilespmem:s25+$0x50] =	vst v9;
	v11 =	vmul.f32 v54, v11  }
0x6c: {  	v10 =	vperm.xlane v10, v8;
	v13 =	vmul.f32 v50, v44;
	[tilespmem:s25+$0x70] =	vst v12  }
0x6d: {  	[tilespmem:s25+$0x30] =	vst v11;
	v11 =	vmul.f32 v57, v51  }
0x6e: {  	v9 =	vmul.f32 v10, v61;
	[tilespmem:s25+$0xFFFFFFA0] =	vst v13  }
0x6f: {  	[tilespmem:s25+$0x40] =	vst v11;
	v11 =	vmul.f32 v62, v58  }
0x70: {  	[tilespmem:s25+$0xFFFFFFF0] =	vst v9  }
0x71: {  	s24 =	sadd.s32 s2, s24;
	[tilespmem:s25+$0xFFFFFFE0] =	vst v11  }
0x72: {  	[hbm4b:s24+s4] =	stream.linear.scatter [tilespmem:s21], [sflag:$0x1], $0x280, $0x38;
	[tilespmem:$0x17128] =	vst v63  }
0x73: {  	s23 =	sadd.s32 $0x1, s23;
	_ =	swait.ge [sflag:s16], $0x280  }
0x74: {  	p0 =	sne.s32 s23, $0x7D;
	[sflag:s16] =	ssyncset.done $0x0  }
.Ltmp1:
0x75: {  	[sflag:s16] =	ssyncadd.s32 $0xFFFFFD80;
	(pc) =	sbr.rel @p0 .LBB2_2-.Ltmp1, $4  }
0x76: {  	[spmem:s3] =	stream.indirect.scatter.add.f32 [tilespmem:s18], [sflag:$0x1], $0x80, s17, s17, $0xb8;
	[tilespmem:$0x17128] =	vst v63  }
0x77: {  	_ =	swait.ge [sflag:s16], $0x2800  }
0x78: {  	[sflag:s16] =	ssyncset.done $0x0  }
0x79: {  	[sflag:s16] =	ssyncadd.s32 $0xFFFFD800  }
0x7a: {  	s22 =	sadd.s32 $0x1, s22  }
0x7b: {  	p0 =	sne.s32 s22, s14  }
.Ltmp2:
0x7c: {  	[bflag:$0x0] =	sbarrier.arrive $0xFFFF;
	(pc) =	sbr.rel @p0 .LBB2_1-.Ltmp2, $4  }
0x7d: {  	[hbm:s13], [sflag:s11] =	dma.local [spmem:s15], $0x2780  }
0x7e: {  	_ =	swait.ge [sflag:s16], $0x2780  }
0x7f: {  	[sflag:s16] =	ssyncset.done $0x0  }
0x80: {  	[sflag:s16] =	ssyncadd.s32 $0xFFFFD880  }
0x81: {  	_ =	sfence.sel $0x180000  }
0x82: {  	[bflag:$0x0] =	sbarrier.arrive $0xFFFF  }
0x83: {  	p0 =	sne.s32 s1, $0x0;
	_ =	strace $0x9000004A  }
0x84: {  	s0 =	sadd.s32 @!p0 $0x100000, s0;
	[bflag:$0x2] =	sbarrier.arrive $0xFFFF  }
0x85: {  	[sflag:s0] =	ssyncadd.tile.s32 @!p0 $0x1;
	_ =	shalt  }
.Lfunc_end2:
_tile_overlayer_lowered:
.L_overlay_start_2:
0x86: {  	(tag) =	ssettag $0x2  }
0x87: {  	s0 =	rddreg [dreg:$0x0];
	s2 =	stileid.u32  }
0x88: {  	s1 =	rddreg [dreg:$0x1];
	p0 =	sne.s32 s2, $0x0  }
0x89: {  	s3 =	rddreg [dreg:$0x2];
	[bflag:$0x3] =	sbarrier.arrive $0xFFFF;
	s2 =	simm.s32 @!p0 $0x1C01  }
0x8a: {  	[timem:s3], [sflag:s2] =	dma.local @!p0 [hbm:s0], s1  }
0x8b: {  	s0 =	simm.s32 @!p0 $0x1  }
0x8c: {  	_ =	swait.ge @!p0 [sflag:s0], s1  }
0x8d: {  	s1 =	ssub.s32 @!p0 $0x0, s1;
	[sflag:s0] =	ssyncset.done @!p0 $0x0  }
0x8e: {  	[sflag:s0] =	ssyncadd.s32 @!p0 s1  }
0x8f: {  	[bflag:$0x3] =	sbarrier.arrive $0xFFFF  }
0x90: {  	_ =	shalt  }

// kernel: kernel.7.cloned.1.call-start
scs
__scs_entry_jumppad:
0x0: {  	(pc) =	sbr.rel $0x88, $3  }
0x1: {  	(tag) =	ssettag $0x0;
	lr =	simm.s32 $0x1  }
0x2: {  	[smem:$0x3F9C] =	sst lr;
	_ =	strace $0xD0000000  }
0x3: {  	_ = 	snop  }
0x4: {  	_ = 	snop  }
0x5: {  	_ = 	snop  }
0x6: {  	_ = 	snop  }
0x7: {  	_ = 	snop  }
__scs_overlays_trampoline_lowered:
0x8: {  	[smem:$0x3FAB] =	sst s0  }
0x9: {  	[smem:$0x3FAC] =	sst s1  }
0xa: {  	[smem:$0x3FAD] =	sst s2  }
0xb: {  	[smem:$0x3FAE] =	sst s3  }
0xc: {  	[smem:$0x3FAF] =	sst s4  }
0xd: {  	[smem:$0x3FB0] =	sst s5  }
0xe: {  	[smem:$0x3FB1] =	sst s6  }
0xf: {  	[smem:$0x3FB2] =	sst s7  }
0x10: {  	[smem:$0x3FB3] =	sst s8  }
0x11: {  	[smem:$0x3FB4] =	sst s9;
	s0 =	simm.s32 @!p0 $0x0  }
0x12: {  	s1 =	sld [smem:$0x3F9A];
	s0 =	simm.s32 @p0 $0x1  }
0x13: {  	[smem:$0x3FB5] =	sst s0;
	s0 =	simm.s32 @!p1 $0x0  }
0x14: {  	s2 =	sld [smem:$0x3F99];
	s0 =	simm.s32 @p1 $0x1  }
0x15: {  	[smem:$0x3FB6] =	sst s0;
	s0 =	simm.s32 @!p2 $0x0  }
0x16: {  	s3 =	sld [smem:$0x3FDB];
	s0 =	simm.s32 @p2 $0x1  }
0x17: {  	s4 =	simm.s32 $0x1BF5;
	[smem:$0x3FB8] =	sst s0  }
0x18: {  	s0 =	sld [smem:$0x3F9B];
	_ =	swait.ge [sflag:s4], $0x0  }
0x19: {  	s7 =	sld [smem:$0x3F9C]  }
0x1a: {  	s8 =	sadd.s32 $0xFFFFE003, lr  }
0x1b: {  	s9 =	sadd.s32 $0xFFFFFEF7, lr;
	s5 =	simm.s32 $0xFFFFFFFF;
	p2 =	slt.u32 s8, $0xFFFFF086  }
0x1c: {  	p1 =	slt.u32 s9, $0xF7A;
	s5 =	simm.s32 @!p2 $0x0  }
0x1d: {  	s5 =	simm.s32 @p1 $0x1;
	p0 =	seq.s32 s7, s2  }
0x1e: {  	s7 =	smul.u32 @!p0 $0xF7A, s2;
	p2 =	seq.s32 @!p0 s5, $0x0  }
0x1f: {  	s9 =	smul.u32 $0xF7A, s1;
	s8 =	simm.s32 @!p0 $0x1BF5;
	p2 =	por !p2, p0  }
0x20: {  	[sflag:s8] =	ssyncset.s32 @!p0 $0xFFFFF086;
	s6 =	sadd.s32 @!p0 s3, s7;
	s7 =	simm.s32 @!p0 $0x108  }
0x21: {  	s3 =	sadd.s32 s3, s9;
	s6 =	sadd.s32 @!p0 $0x88, s6;
	s7 =	simm.s32 @p2 $0x1082  }
0x22: {  	[simem:s7], [sflag:s8] =	dma.local @!p0 [hbm:s6], $0xF7A  }
0x23: {  	s9 =	sor.u32 $0xD0000000, s2;
	s6 =	simm.s32 $0x108;
	_ =	swait.ge @!p0 [sflag:s8], $0x0  }
0x24: {  	s3 =	sadd.s32 $0x88, s3;
	s6 =	simm.s32 @!p1 $0x1082;
	[sflag:s4] =	ssyncset.s32 $0xFFFFF086  }
0x25: {  	[simem:s6], [sflag:s4] =	dma.local [hbm:s3], $0xF7A  }
0x26: {  	[smem:$0x3F9C] =	sst s1;
	(tag) =	ssettag s2;
	_ =	strace s9  }
0x27: {  	s1 =	sld [smem:$0x3FAC]  }
0x28: {  	s2 =	sld [smem:$0x3FAD]  }
0x29: {  	s4 =	sld [smem:$0x3FAF]  }
0x2a: {  	p0 =	seq.s32 s5, $0x0;
	s5 =	sld [smem:$0x3FB0]  }
0x2b: {  	s6 =	sld [smem:$0x3FB1]  }
0x2c: {  	s7 =	sld [smem:$0x3FB2]  }
0x2d: {  	s3 =	simm.s32 $0x108;
	s8 =	sld [smem:$0x3FB3]  }
0x2e: {  	s3 =	simm.s32 @!p0 $0x1082;
	s9 =	sld [smem:$0x3FB4]  }
0x2f: {  	lr =	sadd.s32 s0, s3;
	s0 =	sld [smem:$0x3FAB]  }
0x30: {  	s3 =	sld [smem:$0x3FAE]  }
0x31: {  	[smem:$0x3FB7] =	sst s10  }
0x32: {  	s10 =	sld [smem:$0x3FB5];
	_ =	sdelay $0x3  }
0x33: {  	p0 =	seq.s32 s10, $0x1;
	s10 =	sld [smem:$0x3FB7];
	_ =	sdelay $0x3  }
0x34: {  	[smem:$0x3FB7] =	sst s10  }
0x35: {  	s10 =	sld [smem:$0x3FB6];
	_ =	sdelay $0x3  }
0x36: {  	p1 =	seq.s32 s10, $0x1;
	s10 =	sld [smem:$0x3FB7];
	_ =	sdelay $0x3  }
0x37: {  	[smem:$0x3FB7] =	sst s10  }
0x38: {  	s10 =	sld [smem:$0x3FB8]  }
0x39: {  	_ = 	snop;
	(pc) =	sbr.ind lr, $3  }
0x3a: {  	_ = 	snop  }
0x3b: {  	_ = 	snop  }
0x3c: {  	p2 =	seq.s32 s10, $0x1;
	s10 =	sld [smem:$0x3FB7]  }
0x3d: {  	_ =	shalt  }
0x3e: {  	_ =	shalt  }
0x3f: {  	_ =	shalt  }
0x40: {  	_ =	shalt  }
0x41: {  	_ =	shalt  }
0x42: {  	_ =	shalt  }
0x43: {  	_ =	shalt  }
0x44: {  	_ =	shalt  }
0x45: {  	_ =	shalt  }
0x46: {  	_ =	shalt  }
0x47: {  	_ =	shalt  }
0x48: {  	_ =	shalt  }
0x49: {  	_ =	shalt  }
0x4a: {  	_ =	shalt  }
0x4b: {  	_ =	shalt  }
0x4c: {  	_ =	shalt  }
0x4d: {  	_ =	shalt  }
0x4e: {  	_ =	shalt  }
0x4f: {  	_ =	shalt  }
0x50: {  	_ =	shalt  }
0x51: {  	_ =	shalt  }
0x52: {  	_ =	shalt  }
0x53: {  	_ =	shalt  }
0x54: {  	_ =	shalt  }
0x55: {  	_ =	shalt  }
0x56: {  	_ =	shalt  }
0x57: {  	_ =	shalt  }
0x58: {  	_ =	shalt  }
0x59: {  	_ =	shalt  }
0x5a: {  	_ =	shalt  }
0x5b: {  	_ =	shalt  }
0x5c: {  	_ =	shalt  }
0x5d: {  	_ =	shalt  }
0x5e: {  	_ =	shalt  }
0x5f: {  	_ =	shalt  }
0x60: {  	_ =	shalt  }
0x61: {  	_ =	shalt  }
0x62: {  	_ =	shalt  }
0x63: {  	_ =	shalt  }
0x64: {  	_ =	shalt  }
0x65: {  	_ =	shalt  }
0x66: {  	_ =	shalt  }
0x67: {  	_ =	shalt  }
0x68: {  	_ =	shalt  }
0x69: {  	_ =	shalt  }
0x6a: {  	_ =	shalt  }
0x6b: {  	_ =	shalt  }
0x6c: {  	_ =	shalt  }
0x6d: {  	_ =	shalt  }
0x6e: {  	_ =	shalt  }
0x6f: {  	_ =	shalt  }
0x70: {  	_ =	shalt  }
0x71: {  	_ =	shalt  }
0x72: {  	_ =	shalt  }
0x73: {  	_ =	shalt  }
0x74: {  	_ =	shalt  }
0x75: {  	_ =	shalt  }
0x76: {  	_ =	shalt  }
0x77: {  	_ =	shalt  }
0x78: {  	_ =	shalt  }
0x79: {  	_ =	shalt  }
0x7a: {  	_ =	shalt  }
0x7b: {  	_ =	shalt  }
0x7c: {  	_ =	shalt  }
0x7d: {  	_ =	shalt  }
0x7e: {  	_ =	shalt  }
0x7f: {  	_ =	shalt  }
0x80: {  	_ =	shalt  }
0x81: {  	_ =	shalt  }
0x82: {  	_ =	shalt  }
0x83: {  	_ =	shalt  }
0x84: {  	_ =	shalt  }
0x85: {  	_ =	shalt  }
0x86: {  	_ =	shalt  }
0x87: {  	_ =	shalt  }
.Lfunc_end0:
.L_simem_size_0:
called_computation_lowered:
.L_overlay_start_0:
0x88: {  	s2 =	sld [smem:$0x3FD9]  }
0x89: {  	s3 =	sld [smem:$0x3FFE];
	_ =	sdelay $0x1  }
0x8a: {  	s1 =	srdreg.scid  }
0x8b: {  	s0 =	sand.u32 $0x1, s1  }
0x8c: {  	s14 =	sshll.u32 s0, $0xA;
	s2 =	sadd.s32 s3, s2  }
0x8d: {  	s2 =	sadd.s32 s2, s14  }
0x8e: {  	[smem:$0x3FC3] =	sst s2  }
0x8f: {  	_ = 	snop  }
0x90: {  	s2 =	sld [smem:$0x3FD0];
	_ =	sdelay $0x2  }
0x91: {  	s15 =	simm.s32 $0xA;
	s4 =	simm.s32 $0x10  }
0x92: {  	[smem:s4], [sflag:s15] =	dma.local [hbm:s2], $0x1  }
0x93: {  	_ =	swait.eq [sflag:s15], $0x1  }
0x94: {  	[sflag:s15] =	ssyncset.done $0x0  }
0x95: {  	s16 =	sld [smem:$0x10];
	[sflag:s15] =	ssyncadd.s32 $0xFFFFFFFF  }
0x96: {  	s17 =	sld [smem:$0x11];
	(tm) =	ssettm $0x1  }
0x97: {  	s18 =	sld [smem:$0x3FFB];
	_ =	sdelay $0x3  }
0x98: {  	_ =	strace s18  }
0x99: {  	s4 =	sld [smem:$0x3FFC];
	_ =	sdelay $0x3  }
0x9a: {  	_ =	strace s4  }
0x9b: {  	s4 =	sld [smem:$0x3FFD];
	_ =	sdelay $0x3  }
0x9c: {  	_ =	strace s4  }
0x9d: {  	_ =	strace $0x8FFFFFFF  }
0x9e: {  	s19 =	sld [smem:$0x3FDB];
	_ =	sdelay $0x1  }
0x9f: {  	s5 =	simm.s32 $_scs_section_size  }
0xa0: {  	s6 =	simm.s32 $_size__tile_overlayer_lowered;
	s7 =	simm.s32 $_tile_overlayer_lowered  }
0xa1: {  	s22 =	simm.s32 $0x1BFF;
	s21 =	sshll.u32 s7, $0x1;
	s4 =	sadd.s32 s5, s19  }
0xa2: {  	s8 =	simm.s32 $0x0;
	s20 =	sshll.u32 s6, $0x1;
	s6 =	sadd.s32 s21, s4  }
0xa3: {  	[timem:s8], [sflag:s22] =	dma.local [hbm:s6], s20  }
0xa4: {  	_ =	swait.ge [sflag:s22], s20  }
0xa5: {  	s5 =	ssub.s32 $0x0, s20;
	[sflag:s22] =	ssyncset.done $0x0  }
0xa6: {  	[sflag:s22] =	ssyncadd.s32 s5;
	_ =	sdelay $0x1  }
0xa7: {  	s23 =	simm.s32 $0x1B8B  }
0xa8: {  	_ =	swait.ge [sflag:s23], $0x1  }
0xa9: {  	[sflag:s23] =	ssyncset.done $0x0  }
0xaa: {  	s25 =	simm.s32 $0x1B8E;
	s24 =	sld [smem:$0x3FFE];
	[sflag:s23] =	ssyncadd.s32 $0xFFFFFFFF  }
0xab: {  	s26 =	simm.s32 $execute0_lowered;
	[smem:$0x3FD2] =	sst s25  }
0xac: {  	s6 =	sshll.u32 s26, $0x1;
	_ =	strace $0x80000046;
	[dreg:$0x1] =	wrdreg $0xFFFFFFFF  }
0xad: {  	s28 =	simm.s32 $_size_execute0_lowered;
	s4 =	sadd.s32 s4, s6;
	[dreg:$0x0] =	wrdreg $0x0  }
0xae: {  	s6 =	sshll.u32 s28, $0x1;
	[dreg:$0x2] =	wrdreg s4  }
0xaf: {  	[dreg:$0x3] =	wrdreg s6  }
0xb0: {  	[dreg:$0x4] =	wrdreg $0xC0  }
0xb1: {  	_ =	task [dreg:s8], $0x5FFFF  }
0xb2: {  	[dreg:$0x1] =	wrdreg $0xFFFFFFFF  }
0xb3: {  	[dreg:$0x0] =	wrdreg $0x60  }
0xb4: {  	[dreg:$0x2] =	wrdreg s24  }
0xb5: {  	[dreg:$0x3] =	wrdreg s17  }
0xb6: {  	[dreg:$0x4] =	wrdreg s16  }
0xb7: {  	[dreg:$0x5] =	wrdreg $0xFA00  }
0xb8: {  	[dreg:$0x6] =	wrdreg $0x9  }
0xb9: {  	_ =	task.clear_ibuf [dreg:s8], $0x7FFFF;
	_ =	strace $0x90000046  }
0xba: {  	s29 =	simm.s32 $0x9;
	_ =	strace $0x80000048  }
0xbb: {  	_ =	swait.ge [sflag:s29], $0x1  }
0xbc: {  	[sflag:s29] =	ssyncadd.s32 $0xFFFFFFFF  }
0xbd: {  	_ =	strace $0x90000048  }
0xbe: {  	_ =	sfence  }
0xbf: {  	s30 =	sld [smem:$0x0];
	_ =	sdelay $0x2  }
0xc0: {  	s31 =	sshll.u32 s1, $0xD;
	s1 =	sshrl.u32 s1, $0x2  }
0xc1: {  	s3 =	sand.u32 $0x4000, s31;
	s1 =	sadd.s32 s1, s30  }
0xc2: {  	s0 =	sor.u32 s3, s0;
	s1 =	sshll.u32 s1, $0x11  }
0xc3: {  	s0 =	sor.u32 s1, s0  }
0xc4: {  	s0 =	sadd.s32 $0x8F2B, s0  }
0xc5: {  	[sflag:s0] =	ssyncadd.remote.s32 $0x1  }
0xc6: {  	_ =	sfence.sel $0xFFFF  }
0xc7: {  	[dreg:$0x0] =	wrdreg $0xFFFFFFFF;
	(pc) =	sbr.abs _section_cstart, $3  }
0xc8: {  	[dreg:$0x1] =	wrdreg $0xFFFFFFFF  }
0xc9: {  	_ =	task.clear_ibuf [dreg:s8], $0x2FFFF;
	_ =	strace $0x9FFFFFFF  }
0xca: {  	(tm) =	ssettm $0x7FFFFFFF  }
0xcb: {  	_ =	shalt  }
tec
execute0_lowered:
.L_overlay_start_1:
0x0: {  	(tag) =	ssettag $0x1  }
0x1: {  	s8 =	rddreg [dreg:$0x0]  }
0x2: {  	s9 =	rddreg [dreg:$0x1]  }
0x3: {  	s12 =	rddreg [dreg:$0x2]  }
0x4: {  	s1 =	rddreg [dreg:$0x3]  }
0x5: {  	s0 =	rddreg [dreg:$0x4];
	s2 =	simm.s32 $0x0;
	s4 =	srdreg.scid  }
0x6: {  	s17 =	simm.s32 $0xA0;
	s18 =	simm.s32 $0x5A0;
	s19 =	simm.s32 $0xAA0  }
0x7: {  	s20 =	simm.s32 $0x0;
	[smem:$0x7FF] =	sst s2;
	s3 =	sadd.s32 $0x3C200, s8  }
0x8: {  	s5 =	sadd.s32 $0x41200, s8;
	s6 =	sadd.s32 $0xB200, s8;
	s10 =	sand.u32 $0x1, s4  }
0x9: {  	s7 =	sadd.s32 $0x1400, s8;
	s4 =	stileid.u32;
	s8 =	sadd.s32 $0x46200, s8  }
0xa: {  	_ =	strace $0x80000047;
	s11 =	ssub.s32 $0x2, s10;
	s14 =	smul.u32 $0x2780, s4  }
0xb: {  	s30 =	sshll.u32 s10, $0x4;
	s10 =	smul.u32 $0x27800, s10;
	s13 =	sshrl.u32 s11, $0x1  }
0xc: {  	s31 =	sshll.u32 s4, $0x6;
	s13 =	ssub.s32 s11, s13;
	s11 =	sor.u32 s4, s30  }
0xd: {  	s15 =	sadd.s32 s14, s1;
	s16 =	sshrl.u32 s14, $0x3;
	s14 =	sadd.s32 s14, s10  }
0xe: {  	s10 =	sor.u32 $0x1C01, s31;
	s9 =	sadd.s32 s9, s16;
	s11 =	smul.u32 $0x2710, s11  }
0xf: {  	s14 =	sshrl.u32 s14, $0x3;
	s13 =	smax.u32 s13, $0x1;
	s16 =	simm.s32 $0x50  }
0x10: {  	s12 =	sadd.s32 s12, s14;
	s14 =	sshrl.u32 s15, $0x3;
	s15 =	simm.s32 $0x1  }
.LBB2_1:
0x11: {  	[spmem:s14], [sflag:s10] =	dma.local [hbm:s9], $0x4F0  }
0x12: {  	_ =	swait.ge [sflag:s15], $0x4F0  }
0x13: {  	[sflag:s15] =	ssyncset.done $0x0  }
0x14: {  	[sflag:s15] =	ssyncadd.s32 $0xFFFFFB10  }
0x15: {  	s21 =	simm.s32 $0x0;
	[bflag:$0x0] =	sbarrier.arrive $0xFFFF  }
.LBB2_2:
0x16: {  	s22 =	smul.u32 $0x50, s21;
	_ =	sdelay $0x1  }
0x17: {  	s22 =	sadd.s32 s11, s22  }
0x18: {  	s23 =	sshrl.u32 s22, $0x3  }
0x19: {  	s25 =	simm.s32 $0x0;
	s24 =	sadd.s32 s6, s23  }
0x1a: {  	[tilespmem:s25], [sflag:$0x1] =	stream.linear.gather [hbm4b:s24+s25], $0x50, $0x38;
	[tilespmem:$0x3720] =	vst v63  }
0x1b: {  	_ =	swait.ge [sflag:s15], $0x50  }
0x1c: {  	[sflag:s15] =	ssyncset.done $0x0  }
0x1d: {  	s23 =	sadd.s32 s7, s23;
	[sflag:s15] =	ssyncadd.s32 $0xFFFFFFB0  }
0x1e: {  	[tilespmem:s16], [sflag:$0x1] =	stream.linear.gather [hbm4b:s23+s25], $0x50, $0x38;
	[tilespmem:$0x3720] =	vst v63  }
0x1f: {  	_ =	swait.ge [sflag:s15], $0x50  }
0x20: {  	[sflag:s15] =	ssyncset.done $0x0  }
0x21: {  	[sflag:s15] =	ssyncadd.s32 $0xFFFFFFB0  }
0x22: {  	[tilespmem:s17], [sflag:$0x1] =	stream.indirect.gather [hbm4b:s3+s16], $0x10, s25, s16, $0xb8;
	[tilespmem:$0x3720] =	vst v63  }
0x23: {  	_ =	swait.ge [sflag:s15], $0x500  }
0x24: {  	[sflag:s15] =	ssyncset.done $0x0  }
0x25: {  	[sflag:s15] =	ssyncadd.s32 $0xFFFFFB00  }
0x26: {  	[tilespmem:s18], [sflag:$0x1] =	stream.indirect.gather [hbm4b:s5+s16], $0x10, s16, s16, $0xb8;
	[tilespmem:$0x3720] =	vst v63  }
0x27: {  	_ =	swait.ge [sflag:s15], $0x500  }
0x28: {  	[sflag:s15] =	ssyncset.done $0x0  }
0x29: {  	s23 =	simm.s32 $0x0;
	[sflag:s15] =	ssyncadd.s32 $0xFFFFFB00  }
0x2a: {  	v0 =	vld [tilespmem:s23+$0xA0]  }
0x2b: {  	v1 =	vld [tilespmem:s23+$0x5A0];
	_ =	sdelay $0x4  }
0x2c: {  	v0 =	vadd.f32 v1, v0;
	_ =	sdelay $0x1  }
0x2d: {  	s24 =	simm.s32 $0x10;
	v1 =	vmul.f32 $2.000000030e-01, v0  }
0x2e: {  	v2 =	vld [tilespmem:s24+$0xA0]  }
0x2f: {  	v3 =	vld [tilespmem:s24+$0x5A0];
	v0 =	vmax.f32 v0, v1  }
0x30: {  	s26 =	simm.s32 $0x20;
	v0 =	vmul.f32 $1.442695020e+00, v0  }
0x31: {  	v1 =	vld [tilespmem:s26+$0xA0]  }
0x32: {  	(erf) = vpow2.f32 v0;
	v0 =	vld [tilespmem:s26+$0x5A0];
	_ =	sdelay $0x1  }
0x33: {  	v2 =	vadd.f32 v3, v2;
	_ =	sdelay $0x1  }
0x34: {  	v3 =	vmul.f32 $2.000000030e-01, v2  }
0x35: {  	v4 =	vadd.f32 v0, v1  }
0x36: {  	v0 =	vmax.f32 v2, v3  }
0x37: {  	s25 =	simm.s32 $0x30;
	v1 =	vmul.f32 $1.442695020e+00, v0;
	v2 =	vmul.f32 $2.000000030e-01, v4  }
0x38: {  	v0 =	vld [tilespmem:s25+$0xA0]  }
0x39: {  	(erf) = vpow2.f32 v1;
	v1 =	vld [tilespmem:s25+$0x5A0];
	_ =	sdelay $0x1  }
0x3a: {  	s28 =	simm.s32 $0x100;
	v3 =	vmax.f32 v4, v2;
	v2 =	vpop (erf)  }
.LBB2_3:
0x3b: {  	s29 =	sshra.s32 s28, $0x2  }
0x3c: {  	v3 =	vmul.f32 $1.442695020e+00, v3;
	[tilespmem:s23+$0xAA0] =	vst v2;
	s23 =	smov.u32 s24;
	s24 =	smov.u32 s26;
	p0 =	sne.s32 s28, $0x13C0  }
.Ltmp0:
0x3d: {  	s28 =	sadd.s32 $0x40, s28;
	v2 =	vadd.f32 v1, v0;
	v0 =	vld [tilespmem:s29+$0xA0];
	(pc) =	sbr.rel @p0 .LBB2_3-.Ltmp0, $3  }
0x3e: {  	s26 =	smov.u32 s25;
	s25 =	smov.u32 s29;
	v1 =	vld [tilespmem:s29+$0x5A0];
	(erf) = vpow2.f32 v3  }
0x3f: {  	v3 =	vmul.f32 $2.000000030e-01, v2;
	_ =	sdelay $0x1  }
0x40: {  	v3 =	vmax.f32 v2, v3;
	v2 =	vpop (erf)  }
0x41: {  	_ = 	snop  }
0x42: {  	v0 =	vadd.f32 v1, v0;
	_ =	sdelay $0x1  }
0x43: {  	v1 =	vmul.f32 $2.000000030e-01, v0;
	_ =	sdelay $0x1  }
0x44: {  	v3 =	vmul.f32 $1.442695020e+00, v3;
	v0 =	vmax.f32 v0, v1  }
0x45: {  	v0 =	vmul.f32 $1.442695020e+00, v0  }
0x46: {  	(erf) = vpow2.f32 v3  }
0x47: {  	(erf) = vpow2.f32 v0;
	_ =	sdelay $0x6  }
0x48: {  	[tilespmem:s23+$0xAA0] =	vst v2;
	v61 =	vpop (erf)  }
0x49: {  	[tilespmem:s24+$0xAA0] =	vst v61;
	v62 =	vpop (erf)  }
0x4a: {  	s22 =	sshll.u32 s22, $0x1;
	[tilespmem:s26+$0xAA0] =	vst v62;
	v63 =	vpop (erf)  }
0x4b: {  	s22 =	sadd.s32 s8, s22;
	[tilespmem:s25+$0xAA0] =	vst v63  }
0x4c: {  	[hbm4b:s22+s2] =	stream.linear.scatter [tilespmem:s19], [sflag:$0x1], $0x500, $0x38;
	[tilespmem:$0x3720] =	vst v63  }
0x4d: {  	s21 =	sadd.s32 $0x1, s21;
	_ =	swait.ge [sflag:s15], $0x500  }
0x4e: {  	p0 =	sne.s32 s21, $0x7D;
	[sflag:s15] =	ssyncset.done $0x0  }
.Ltmp1:
0x4f: {  	[sflag:s15] =	ssyncadd.s32 $0xFFFFFB00;
	(pc) =	sbr.rel @p0 .LBB2_2-.Ltmp1, $4  }
0x50: {  	[spmem:s1] =	stream.indirect.scatter.add.f32 [tilespmem:s19], [sflag:$0x1], $0x10, s16, s16, $0xb8;
	[tilespmem:$0x3720] =	vst v63  }
0x51: {  	_ =	swait.ge [sflag:s15], $0x500  }
0x52: {  	[sflag:s15] =	ssyncset.done $0x0  }
0x53: {  	[sflag:s15] =	ssyncadd.s32 $0xFFFFFB00  }
0x54: {  	s20 =	sadd.s32 $0x1, s20  }
0x55: {  	p0 =	sne.s32 s20, s13  }
.Ltmp2:
0x56: {  	[bflag:$0x0] =	sbarrier.arrive $0xFFFF;
	(pc) =	sbr.rel @p0 .LBB2_1-.Ltmp2, $4  }
0x57: {  	[hbm:s12], [sflag:s10] =	dma.local [spmem:s14], $0x4F0  }
0x58: {  	_ =	swait.ge [sflag:s15], $0x4F0  }
0x59: {  	[sflag:s15] =	ssyncset.done $0x0  }
0x5a: {  	[sflag:s15] =	ssyncadd.s32 $0xFFFFFB10  }
0x5b: {  	_ =	sfence.sel $0x180000  }
0x5c: {  	[bflag:$0x0] =	sbarrier.arrive $0xFFFF  }
0x5d: {  	p0 =	sne.s32 s4, $0x0;
	_ =	strace $0x90000047  }
0x5e: {  	s0 =	sadd.s32 @!p0 $0x100000, s0;
	[bflag:$0x2] =	sbarrier.arrive $0xFFFF  }
0x5f: {  	[sflag:s0] =	ssyncadd.tile.s32 @!p0 $0x1;
	_ =	shalt  }
.Lfunc_end2:
_tile_overlayer_lowered:
.L_overlay_start_2:
0x60: {  	(tag) =	ssettag $0x2  }
0x61: {  	s0 =	rddreg [dreg:$0x0];
	s2 =	stileid.u32  }
0x62: {  	s1 =	rddreg [dreg:$0x1];
	p0 =	sne.s32 s2, $0x0  }
0x63: {  	s3 =	rddreg [dreg:$0x2];
	[bflag:$0x3] =	sbarrier.arrive $0xFFFF;
	s2 =	simm.s32 @!p0 $0x1C01  }
0x64: {  	[timem:s3], [sflag:s2] =	dma.local @!p0 [hbm:s0], s1  }
0x65: {  	s0 =	simm.s32 @!p0 $0x1  }
0x66: {  	_ =	swait.ge @!p0 [sflag:s0], s1  }
0x67: {  	s1 =	ssub.s32 @!p0 $0x0, s1;
	[sflag:s0] =	ssyncset.done @!p0 $0x0  }
0x68: {  	[sflag:s0] =	ssyncadd.s32 @!p0 s1  }
0x69: {  	[bflag:$0x3] =	sbarrier.arrive $0xFFFF  }
0x6a: {  	_ =	shalt  }

</sc_bundles>
